<compile_context>
chip_gen: v7x
topology: tpu7x:2x2x1
jax: 0.10.2.dev20260603
libtpu: 0.0.44.dev20260713+nightly
codegen_flags: <defaults>
</compile_context>

<pallas_src>
import functools

import jax
import jax.numpy as jnp
from jax import lax
from jax.experimental import pallas as pl
from jax.experimental.pallas import tpu as pltpu
from jax.experimental.pallas import tpu_sc as plsc

N = 10000
D = 128
E = 320000
EPS = 1e-5

NC = 2
NS = 16
NW = NC * NS
EPT = E // NW
EB = 80
NEB = EPT // EB
CH = 80
NCHUNK = N // CH
CPT = -(-NCHUNK // NS)

RB = 1000
NRB = N // RB


def _sc_mesh():
  return plsc.VectorSubcoreMesh(
      core_axis_name="c", subcore_axis_name="s", num_cores=NC, num_subcores=NS
  )


def _deg_body(dst_hbm, out_hbm, idx_v, deg_v):
  c = lax.axis_index("c")
  s = lax.axis_index("s")
  wid = c * NS + s
  pltpu.sync_copy(dst_hbm.at[pl.ds(wid * EPT, EPT)], idx_v)

  def zero(i, carry):
    deg_v[pl.ds(i * 16, 16)] = jnp.zeros((16,), jnp.float32)
    return carry

  lax.fori_loop(0, N // 16, zero, 0)

  def body(i, carry):
    idx = idx_v[pl.ds(i * 16, 16)]
    cnt, last = plsc.scan_count(idx)
    plsc.addupdate_scatter(deg_v, [idx], cnt.astype(jnp.float32), mask=last)
    return carry

  lax.fori_loop(0, EPT // 16, body, 0)
  pltpu.sync_copy(deg_v, out_hbm.at[wid])


_deg_call = pl.kernel(
    _deg_body,
    out_type=jax.ShapeDtypeStruct((NW, N), jnp.float32),
    mesh=_sc_mesh(),
    scratch_types=[
        pltpu.VMEM((EPT,), jnp.int32),
        pltpu.VMEM((N,), jnp.float32),
    ],
    compiler_params=pltpu.CompilerParams(needs_layout_passes=False),
)


def _mmh_body(x_ref, w_ref, h_ref):
  h_ref[...] = jnp.dot(x_ref[...], w_ref[...],
                       preferred_element_type=jnp.float32)


_mmh_call = pl.pallas_call(
    _mmh_body,
    grid=(NRB,),
    in_specs=[
        pl.BlockSpec((RB, D), lambda i: (i, 0)),
        pl.BlockSpec((D, D), lambda i: (0, 0)),
    ],
    out_specs=pl.BlockSpec((RB, D), lambda i: (i, 0)),
    out_shape=jax.ShapeDtypeStruct((N, D), jnp.float32),
)


def _pre_body(degp_ref, h_ref, dis_ref, hs_ref):
  deg = jnp.sum(degp_ref[...], axis=0) + 1.0
  dis = lax.rsqrt(deg)[:, None]
  dis_ref[...] = dis
  hs_ref[...] = h_ref[...] * dis


_pre_call = pl.pallas_call(
    _pre_body,
    grid=(1,),
    in_specs=[
        pl.BlockSpec((NW, N), lambda i: (0, 0)),
        pl.BlockSpec((N, D), lambda i: (0, 0)),
    ],
    out_specs=[
        pl.BlockSpec((N, 1), lambda i: (0, 0)),
        pl.BlockSpec((N, D), lambda i: (0, 0)),
    ],
    out_shape=[
        jax.ShapeDtypeStruct((N, 1), jnp.float32),
        jax.ShapeDtypeStruct((N, D), jnp.float32),
    ],
)


def _agg_body(xs_hbm, src_hbm, dst_hbm, out_hbm, sidx1, didx2, buf_a, buf_b,
              shared, gs_a, gs_b, ss_a, ss_b):
  c = lax.axis_index("c")
  s = lax.axis_index("s")
  wid = c * NS + s

  stage_s = pltpu.async_copy(src_hbm.at[pl.ds(wid * EPT, EPT)], sidx1, gs_a)
  stage_d = pltpu.async_copy(dst_hbm.at[wid], didx2, gs_b)

  def zrow(i, carry):
    def zcol(k, carry2):
      buf_a[i, pl.ds(k * 16, 16)] = jnp.zeros((16,), jnp.float32)
      return carry2

    return lax.fori_loop(0, D // 16, zcol, carry)

  lax.fori_loop(0, CH, zrow, 0)
  stage_s.wait()
  stage_d.wait()

  def zcopy(j, carry):
    ch = s + j * NS

    @pl.when(ch < NCHUNK)
    def _():
      pltpu.sync_copy(buf_a, shared.at[pl.ds(ch * CH, CH)])

    return carry

  lax.fori_loop(0, CPT, zcopy, 0)
  plsc.subcore_barrier()

  def gather(i, buf, sem):
    return pltpu.async_copy(xs_hbm.at[sidx1.at[pl.ds(i * EB, EB)]], buf, sem)

  def gather_wait(i, buf, sem):
    pltpu.make_async_copy(
        xs_hbm.at[sidx1.at[pl.ds(i * EB, EB)]], buf, sem
    ).wait()

  def scatter(i, buf, sem):
    return pltpu.async_copy(buf, shared.at[didx2.at[i]], sem, add=True)

  def scatter_wait(i, buf, sem):
    pltpu.make_async_copy(buf, shared.at[didx2.at[i]], sem).wait()

  gather(0, buf_a, gs_a)

  def body(it, carry):
    i = 2 * it
    gather_wait(i, buf_a, gs_a)
    scatter(i, buf_a, ss_a)
    gather(i + 1, buf_b, gs_b)
    scatter_wait(i, buf_a, ss_a)
    gather(i + 2, buf_a, gs_a)
    gather_wait(i + 1, buf_b, gs_b)
    scatter(i + 1, buf_b, ss_b)
    scatter_wait(i + 1, buf_b, ss_b)
    return carry

  lax.fori_loop(0, (NEB - 1) // 2, body, 0)
  gather_wait(NEB - 1, buf_a, gs_a)
  pltpu.sync_copy(buf_a, shared.at[didx2.at[NEB - 1]], add=True)
  plsc.subcore_barrier()

  def orow(j, carry):
    ch = s + j * NS

    @pl.when(ch < NCHUNK)
    def _():
      r0 = ch * CH
      pltpu.sync_copy(shared.at[pl.ds(r0, CH)], out_hbm.at[c, pl.ds(r0, CH)])

    return carry

  lax.fori_loop(0, CPT, orow, 0)


_agg_call = pl.kernel(
    _agg_body,
    out_type=jax.ShapeDtypeStruct((NC, N, D), jnp.float32),
    mesh=_sc_mesh(),
    scratch_types=[
        pltpu.VMEM((EPT,), jnp.int32),
        pltpu.VMEM((NEB, EB), jnp.int32),
        pltpu.VMEM((EB, D), jnp.float32),
        pltpu.VMEM((EB, D), jnp.float32),
        pltpu.VMEM_SHARED((N, D), jnp.float32),
        pltpu.SemaphoreType.DMA,
        pltpu.SemaphoreType.DMA,
        pltpu.SemaphoreType.DMA,
        pltpu.SemaphoreType.DMA,
    ],
    compiler_params=pltpu.CompilerParams(needs_layout_passes=False),
)


def _post_body(aggp_ref, hs_ref, dis_ref, b_ref, gamma_ref, beta_ref, o_ref,
               y_s, s1_s, s2_s):
  i = pl.program_id(0)

  @pl.when(i < NRB)
  def _():
    agg = aggp_ref[0] + aggp_ref[1]
    y = (agg + hs_ref[...]) * dis_ref[...] + b_ref[...]
    y_s[pl.ds(i * RB, RB), :] = y
    ps = jnp.sum(y, axis=0, keepdims=True)
    pss = jnp.sum(y * y, axis=0, keepdims=True)

    @pl.when(i == 0)
    def _():
      s1_s[...] = ps
      s2_s[...] = pss

    @pl.when(i > 0)
    def _():
      s1_s[...] += ps
      s2_s[...] += pss

  @pl.when(i >= NRB)
  def _():
    j = i - NRB
    mean = s1_s[...] * (1.0 / N)
    var = s2_s[...] * (1.0 / N) - mean * mean
    scale = gamma_ref[...] * lax.rsqrt(var + EPS)
    shift = beta_ref[...] - mean * scale
    y = y_s[pl.ds(j * RB, RB), :]
    o_ref[...] = jnp.maximum(y * scale + shift, 0.0)


_post_call = pl.pallas_call(
    _post_body,
    grid=(2 * NRB,),
    in_specs=[
        pl.BlockSpec((NC, RB, D), lambda i: (0, jnp.minimum(i, NRB - 1), 0)),
        pl.BlockSpec((RB, D), lambda i: (jnp.minimum(i, NRB - 1), 0)),
        pl.BlockSpec((RB, 1), lambda i: (jnp.minimum(i, NRB - 1), 0)),
        pl.BlockSpec((1, D), lambda i: (0, 0)),
        pl.BlockSpec((1, D), lambda i: (0, 0)),
        pl.BlockSpec((1, D), lambda i: (0, 0)),
    ],
    out_specs=pl.BlockSpec((RB, D), lambda i: (jnp.maximum(i - NRB, 0), 0)),
    out_shape=jax.ShapeDtypeStruct((N, D), jnp.float32),
    scratch_shapes=[
        pltpu.VMEM((N, D), jnp.float32),
        pltpu.VMEM((1, D), jnp.float32),
        pltpu.VMEM((1, D), jnp.float32),
    ],
)


def kernel(x, edge_index, W, b, gamma, beta):
  src = edge_index[0].astype(jnp.int32)
  dst = edge_index[1].astype(jnp.int32)
  x = x.astype(jnp.float32)
  degp = _deg_call(dst)
  h = _mmh_call(x, W)
  dis, hs = _pre_call(degp, h)
  aggp = _agg_call(hs, src, dst.reshape(NW, NEB, EB))
  return _post_call(aggp, hs, dis, b.reshape(1, D), gamma.reshape(1, D),
                    beta.reshape(1, D))

# --- scband reference (transcript-rebuilt; emitter-appended) ---
"""Pipeline reference for scband-gcnsub-module-89876485636648 (READ-ONLY COPY).

The authoritative reference and input builder live on the scoring server;
editing this copy changes nothing except your own understanding.
"""

import jax, jax.numpy as jnp
import numpy as np

N_NODES = 10000
N_EDGES = 320000
D = 128
EPS = 1e-5

def setup_inputs(seed: int = 0) -> dict:
    key = jax.random.key(seed)
    k1, k2, k3, k4, k5, k6 = jax.random.split(key, 6)
    x = jax.random.normal(k1, (N_NODES, D), dtype=jnp.float32)
    edge_index = jax.random.randint(k2, (2, N_EDGES), 0, N_NODES, dtype=jnp.int64)
    # GCNConv linear weight (glorot-ish) and bias
    W = jax.random.normal(k3, (D, D), dtype=jnp.float32) * (1.0 / np.sqrt(D))
    b = jnp.zeros((D,), dtype=jnp.float32)
    # BatchNorm1d affine params
    gamma = jnp.ones((D,), dtype=jnp.float32)
    beta = jnp.zeros((D,), dtype=jnp.float32)
    return {"x": x, "edge_index": edge_index, "W": W, "b": b, "gamma": gamma, "beta": beta}

def reference(x, edge_index, W, b, gamma, beta):
    N = x.shape[0]
    # --- GCNConv (PyG semantics: linear -> symmetric norm with self-loops -> scatter-add -> bias) ---
    # add self loops
    loop = jnp.arange(N, dtype=edge_index.dtype)
    src = jnp.concatenate([edge_index[0], loop])
    dst = jnp.concatenate([edge_index[1], loop])
    h = x @ W
    ones = jnp.ones(src.shape[0], dtype=x.dtype)
    deg = jnp.zeros((N,), dtype=x.dtype).at[dst].add(ones)
    deg_inv_sqrt = jnp.where(deg > 0, jax.lax.rsqrt(jnp.maximum(deg, 1e-12)), 0.0)
    norm = deg_inv_sqrt[src] * deg_inv_sqrt[dst]
    msgs = h[src] * norm[:, None]
    out = jnp.zeros((N, D), dtype=x.dtype).at[dst].add(msgs)
    out = out + b
    # --- BatchNorm1d (training-mode batch statistics) ---
    mean = jnp.mean(out, axis=0)
    var = jnp.var(out, axis=0)
    out = (out - mean) * jax.lax.rsqrt(var + EPS) * gamma + beta
    # --- ReLU ---
    return jax.nn.relu(out)

if __name__ == "__main__":
    import jax
    _d = setup_inputs()
    print(jax.jit(kernel)(*tuple(_d.values())))

</pallas_src>

<mosaic_0001>
#map = affine_map<(d0, d1) -> (0, 0)>
#map1 = affine_map<(d0, d1) -> (0)>
#map2 = affine_map<(d0, d1) -> (0, 0, 0)>
module attributes {stable_mosaic.version = 14 : i64} {
  func.func @_agg_body(%arg0: i32, %arg1: i32, %arg2: memref<10000x128xf32, #tpu.memory_space<hbm>>, %arg3: memref<320000xi32, #tpu.memory_space<hbm>>, %arg4: memref<32x125x80xi32, #tpu.memory_space<hbm>>, %arg5: memref<2x10000x128xf32, #tpu.memory_space<hbm>>, %arg6: memref<10000xi32, #tpu.memory_space<vmem>>, %arg7: memref<125x80xi32, #tpu.memory_space<vmem>>, %arg8: memref<80x128xf32, #tpu.memory_space<vmem>>, %arg9: memref<80x128xf32, #tpu.memory_space<vmem>>, %arg10: memref<10000x128xf32, #tpu.memory_space<vmem_shared>>, %arg11: memref<!tpu.dma_semaphore, #tpu.memory_space<semaphore_mem>>, %arg12: memref<!tpu.dma_semaphore, #tpu.memory_space<semaphore_mem>>, %arg13: memref<!tpu.dma_semaphore, #tpu.memory_space<semaphore_mem>>, %arg14: memref<!tpu.dma_semaphore, #tpu.memory_space<semaphore_mem>>) attributes {dimension_semantics = [#tpu.dimension_semantics<core_parallel>, #tpu.dimension_semantics<subcore_parallel>], iteration_bounds = array<i64: 2, 16>, scalar_prefetch = 0 : i64, scratch_operands = 9 : i64, tpu.core_type = #tpu.core_type<sc_vector_subcore>, window_params = [{transform_indices = #map}, {transform_indices = #map1}, {transform_indices = #map2}, {transform_indices = #map2}]} {
    %mul3A = arith.constant 16 : i32
    %mul3A_0 = arith.muli %arg0, %mul3A : i32
    %add3A = arith.addi %mul3A_0, %arg1 : i32
    %mul3A_1 = arith.constant 10000 : i32
    %mul3A_2 = arith.muli %add3A, %mul3A_1 : i32
    %dma_start3A = tpu.memref_slice %arg3[%mul3A_2] : memref<320000xi32, #tpu.memory_space<hbm>> -> memref<10000xi32, #tpu.memory_space<hbm>>
    %dma_start3A_3 = tpu.memref_slice %arg3[%mul3A_2] : memref<320000xi32, #tpu.memory_space<hbm>> -> memref<10000xi32, #tpu.memory_space<hbm>>
    tpu.enqueue_dma source(%dma_start3A_3 : memref<10000xi32, #tpu.memory_space<hbm>>) target(%arg6 : memref<10000xi32, #tpu.memory_space<vmem>>) target_semaphore(%arg11 : memref<!tpu.dma_semaphore, #tpu.memory_space<semaphore_mem>>)
    %dma_start3A_4 = arith.constant 0 : i32
    %dma_start3A_5 = arith.constant 0 : i32
    %dma_start3A_6 = tpu.memref_slice %arg4[%add3A, %dma_start3A_4, %dma_start3A_5] : memref<32x125x80xi32, #tpu.memory_space<hbm>> -> memref<1x125x80xi32, #tpu.memory_space<hbm>>
    %dma_start3A_7 = tpu.memref_squeeze %dma_start3A_6 : memref<1x125x80xi32, #tpu.memory_space<hbm>> -> memref<125x80xi32, #tpu.memory_space<hbm>>
    %dma_start3A_8 = arith.constant 0 : i32
    %dma_start3A_9 = arith.constant 0 : i32
    %dma_start3A_10 = tpu.memref_slice %arg4[%add3A, %dma_start3A_8, %dma_start3A_9] : memref<32x125x80xi32, #tpu.memory_space<hbm>> -> memref<1x125x80xi32, #tpu.memory_space<hbm>>
    %dma_start3A_11 = tpu.memref_squeeze %dma_start3A_10 : memref<1x125x80xi32, #tpu.memory_space<hbm>> -> memref<125x80xi32, #tpu.memory_space<hbm>>
    tpu.enqueue_dma source(%dma_start3A_11 : memref<125x80xi32, #tpu.memory_space<hbm>>) target(%arg7 : memref<125x80xi32, #tpu.memory_space<vmem>>) target_semaphore(%arg12 : memref<!tpu.dma_semaphore, #tpu.memory_space<semaphore_mem>>)
    %scan3A = arith.constant 0 : i32
    %scan3A_12 = arith.constant 0 : i32
    %scan3A_13 = arith.constant 80 : i32
    %scan3A_14 = arith.addi %scan3A_12, %scan3A_13 : i32
    %scan3A_15 = arith.constant 1 : i32
    scf.for %scan3A_55 = %scan3A_12 to %scan3A_14 step %scan3A_15  : i32 {
      %scan3A_56 = arith.constant 0 : i32
      %scan3A_57 = arith.constant 8 : i32
      %scan3A_58 = arith.addi %scan3A_56, %scan3A_57 : i32
      %scan3A_59 = arith.constant 1 : i32
      scf.for %scan3A_61 = %scan3A_56 to %scan3A_58 step %scan3A_59  : i32 {
        %broadcast_in_dim3A = arith.constant 0.000000e+00 : f32
        %broadcast_in_dim3A_62 = vector.broadcast %broadcast_in_dim3A : f32 to vector<16xf32>
        %mul3A_63 = arith.constant 16 : i32
        %mul3A_64 = arith.muli %scan3A_61, %mul3A_63 : i32
        %swap3A = arith.index_cast %scan3A_55 : i32 to index
        %swap3A_65 = arith.index_cast %mul3A_64 : i32 to index
        %swap3A_66 = tpu.vector_load %arg8[%swap3A, %swap3A_65] {strides = array<i32>} : memref<80x128xf32, #tpu.memory_space<vmem>>, vector<16xf32>,
        tpu.vector_store %arg8[%swap3A, %swap3A_65], %broadcast_in_dim3A_62 {strides = array<i32>} : memref<80x128xf32, #tpu.memory_space<vmem>>, vector<16xf32>,
      }
      %scan3A_60 = arith.constant 8 : i32
    }
    %scan3A_16 = arith.constant 80 : i32
    %dma_wait3A = tpu.memref_slice %arg3[%mul3A_2] : memref<320000xi32, #tpu.memory_space<hbm>> -> memref<10000xi32, #tpu.memory_space<hbm>>
    %dma_wait3A_17 = tpu.memref_slice %arg3[%mul3A_2] : memref<320000xi32, #tpu.memory_space<hbm>> -> memref<10000xi32, #tpu.memory_space<hbm>>
    tpu.wait_dma2 semaphore(%arg11 : memref<!tpu.dma_semaphore, #tpu.memory_space<semaphore_mem>>) src(%dma_wait3A_17 : memref<10000xi32, #tpu.memory_space<hbm>>) dst(%arg6 : memref<10000xi32, #tpu.memory_space<vmem>>)
    %dma_wait3A_18 = arith.constant 0 : i32
    %dma_wait3A_19 = arith.constant 0 : i32
    %dma_wait3A_20 = tpu.memref_slice %arg4[%add3A, %dma_wait3A_18, %dma_wait3A_19] : memref<32x125x80xi32, #tpu.memory_space<hbm>> -> memref<1x125x80xi32, #tpu.memory_space<hbm>>
    %dma_wait3A_21 = tpu.memref_squeeze %dma_wait3A_20 : memref<1x125x80xi32, #tpu.memory_space<hbm>> -> memref<125x80xi32, #tpu.memory_space<hbm>>
    %dma_wait3A_22 = arith.constant 0 : i32
    %dma_wait3A_23 = arith.constant 0 : i32
    %dma_wait3A_24 = tpu.memref_slice %arg4[%add3A, %dma_wait3A_22, %dma_wait3A_23] : memref<32x125x80xi32, #tpu.memory_space<hbm>> -> memref<1x125x80xi32, #tpu.memory_space<hbm>>
    %dma_wait3A_25 = tpu.memref_squeeze %dma_wait3A_24 : memref<1x125x80xi32, #tpu.memory_space<hbm>> -> memref<125x80xi32, #tpu.memory_space<hbm>>
    tpu.wait_dma2 semaphore(%arg12 : memref<!tpu.dma_semaphore, #tpu.memory_space<semaphore_mem>>) src(%dma_wait3A_25 : memref<125x80xi32, #tpu.memory_space<hbm>>) dst(%arg7 : memref<125x80xi32, #tpu.memory_space<vmem>>)
    %scan3A_26 = arith.constant 0 : i32
    %scan3A_27 = arith.constant 0 : i32
    %scan3A_28 = arith.constant 8 : i32
    %scan3A_29 = arith.addi %scan3A_27, %scan3A_28 : i32
    %scan3A_30 = arith.constant 1 : i32
    scf.for %scan3A_55 = %scan3A_27 to %scan3A_29 step %scan3A_30  : i32 {
      %mul3A_56 = arith.constant 16 : i32
      %mul3A_57 = arith.muli %scan3A_55, %mul3A_56 : i32
      %add3A_58 = arith.addi %arg1, %mul3A_57 : i32
      %lt3A = arith.constant 125 : i32
      %lt3A_59 = arith.cmpi slt, %add3A_58, %lt3A : i32
      %convert_element_type3A = arith.extui %lt3A_59 : i1 to i32
      %cond3A = arith.constant 0 : i32
      %cond3A_60 = arith.cmpi ne, %convert_element_type3A, %cond3A : i32
      scf.if %cond3A_60 {
        %mul3A_61 = arith.constant 80 : i32
        %mul3A_62 = arith.muli %add3A_58, %mul3A_61 : i32
        "tpu.region"() ({
          %run_scoped3A_63 = tpu.sem_alloc : memref<!tpu.dma_semaphore, #tpu.memory_space<semaphore_mem>>
          %dma_start3A_64 = arith.constant 0 : i32
          %dma_start3A_65 = tpu.memref_slice %arg10[%mul3A_62, %dma_start3A_64] : memref<10000x128xf32, #tpu.memory_space<vmem_shared>> -> memref<80x128xf32, #tpu.memory_space<vmem_shared>>
          %dma_start3A_66 = arith.constant 0 : i32
          %dma_start3A_67 = tpu.memref_slice %arg10[%mul3A_62, %dma_start3A_66] : memref<10000x128xf32, #tpu.memory_space<vmem_shared>> -> memref<80x128xf32, #tpu.memory_space<vmem_shared>>
          tpu.enqueue_dma source(%arg8 : memref<80x128xf32, #tpu.memory_space<vmem>>) target(%dma_start3A_67 : memref<80x128xf32, #tpu.memory_space<vmem_shared>>) target_semaphore(%run_scoped3A_63 : memref<!tpu.dma_semaphore, #tpu.memory_space<semaphore_mem>>)
          %dma_wait3A_68 = arith.constant 0 : i32
          %dma_wait3A_69 = tpu.memref_slice %arg10[%mul3A_62, %dma_wait3A_68] : memref<10000x128xf32, #tpu.memory_space<vmem_shared>> -> memref<80x128xf32, #tpu.memory_space<vmem_shared>>
          %dma_wait3A_70 = arith.constant 0 : i32
          %dma_wait3A_71 = tpu.memref_slice %arg10[%mul3A_62, %dma_wait3A_70] : memref<10000x128xf32, #tpu.memory_space<vmem_shared>> -> memref<80x128xf32, #tpu.memory_space<vmem_shared>>
          tpu.wait_dma2 semaphore(%run_scoped3A_63 : memref<!tpu.dma_semaphore, #tpu.memory_space<semaphore_mem>>) src(%arg8 : memref<80x128xf32, #tpu.memory_space<vmem>>) dst(%dma_wait3A_71 : memref<80x128xf32, #tpu.memory_space<vmem_shared>>)
          tpu.yield
        }) : () -> ()
      } else {
      }
    }
    %scan3A_31 = arith.constant 8 : i32
    %barrier3A = arith.constant 0 : index
    tpu.barrier barrier_id(%barrier3A)
    %dma_start3A_32 = arith.constant 0 : i32
    %dma_start3A_33 = tpu.memref_slice %arg6[%dma_start3A_32] : memref<10000xi32, #tpu.memory_space<vmem>> -> memref<80xi32, #tpu.memory_space<vmem>>
    %dma_start3A_34 = arith.constant 0 : i32
    %dma_start3A_35 = arith.constant 0 : i32
    %dma_start3A_36 = tpu.memref_slice %arg2[%dma_start3A_34, %dma_start3A_35] : memref<10000x128xf32, #tpu.memory_space<hbm>> -> memref<10000x128xf32, #tpu.memory_space<hbm>>
    tpu.enqueue_indirect_dma source(%dma_start3A_36 : memref<10000x128xf32, #tpu.memory_space<hbm>>) target(%arg8 : memref<80x128xf32, #tpu.memory_space<vmem>>) offsets(%dma_start3A_33 : memref<80xi32, #tpu.memory_space<vmem>>) semaphore(%arg11 : memref<!tpu.dma_semaphore, #tpu.memory_space<semaphore_mem>>)
    %scan3A_37 = arith.constant 0 : i32
    %scan3A_38 = arith.constant 0 : i32
    %scan3A_39 = arith.constant 62 : i32
    %scan3A_40 = arith.addi %scan3A_38, %scan3A_39 : i32
    %scan3A_41 = arith.constant 1 : i32
    scf.for %scan3A_55 = %scan3A_38 to %scan3A_40 step %scan3A_41  : i32 {
      %mul3A_56 = arith.constant 2 : i32
      %mul3A_57 = arith.muli %mul3A_56, %scan3A_55 : i32
      %mul3A_58 = arith.constant 80 : i32
      %mul3A_59 = arith.muli %mul3A_57, %mul3A_58 : i32
      %dma_wait3A_60 = tpu.memref_slice %arg6[%mul3A_59] : memref<10000xi32, #tpu.memory_space<vmem>> -> memref<80xi32, #tpu.memory_space<vmem>>
      %dma_wait3A_61 = arith.constant 0 : i32
      %dma_wait3A_62 = arith.constant 0 : i32
      %dma_wait3A_63 = tpu.memref_slice %arg2[%dma_wait3A_61, %dma_wait3A_62] : memref<10000x128xf32, #tpu.memory_space<hbm>> -> memref<10000x128xf32, #tpu.memory_space<hbm>>
      tpu.wait_indirect_dma semaphore(%arg11 : memref<!tpu.dma_semaphore, #tpu.memory_space<semaphore_mem>>) src(%dma_wait3A_63 : memref<10000x128xf32, #tpu.memory_space<hbm>>) dst(%arg8 : memref<80x128xf32, #tpu.memory_space<vmem>>)
      %dma_start3A_64 = arith.constant 0 : i32
      %dma_start3A_65 = tpu.memref_slice %arg7[%mul3A_57, %dma_start3A_64] : memref<125x80xi32, #tpu.memory_space<vmem>> -> memref<1x80xi32, #tpu.memory_space<vmem>>
      %dma_start3A_66 = tpu.memref_squeeze %dma_start3A_65 : memref<1x80xi32, #tpu.memory_space<vmem>> -> memref<80xi32, #tpu.memory_space<vmem>>
      %dma_start3A_67 = arith.constant 0 : i32
      %dma_start3A_68 = arith.constant 0 : i32
      %dma_start3A_69 = tpu.memref_slice %arg10[%dma_start3A_67, %dma_start3A_68] : memref<10000x128xf32, #tpu.memory_space<vmem_shared>> -> memref<10000x128xf32, #tpu.memory_space<vmem_shared>>
      tpu.enqueue_indirect_dma source(%arg8 : memref<80x128xf32, #tpu.memory_space<vmem>>) target(%dma_start3A_69 : memref<10000x128xf32, #tpu.memory_space<vmem_shared>>) offsets(%dma_start3A_66 : memref<80xi32, #tpu.memory_space<vmem>>) semaphore(%arg13 : memref<!tpu.dma_semaphore, #tpu.memory_space<semaphore_mem>>) {add = true}
      %add3A_70 = arith.constant 1 : i32
      %add3A_71 = arith.addi %mul3A_57, %add3A_70 : i32
      %mul3A_72 = arith.constant 80 : i32
      %mul3A_73 = arith.muli %add3A_71, %mul3A_72 : i32
      %dma_start3A_74 = tpu.memref_slice %arg6[%mul3A_73] : memref<10000xi32, #tpu.memory_space<vmem>> -> memref<80xi32, #tpu.memory_space<vmem>>
      %dma_start3A_75 = arith.constant 0 : i32
      %dma_start3A_76 = arith.constant 0 : i32
      %dma_start3A_77 = tpu.memref_slice %arg2[%dma_start3A_75, %dma_start3A_76] : memref<10000x128xf32, #tpu.memory_space<hbm>> -> memref<10000x128xf32, #tpu.memory_space<hbm>>
      tpu.enqueue_indirect_dma source(%dma_start3A_77 : memref<10000x128xf32, #tpu.memory_space<hbm>>) target(%arg9 : memref<80x128xf32, #tpu.memory_space<vmem>>) offsets(%dma_start3A_74 : memref<80xi32, #tpu.memory_space<vmem>>) semaphore(%arg12 : memref<!tpu.dma_semaphore, #tpu.memory_space<semaphore_mem>>)
      %dma_wait3A_78 = arith.constant 0 : i32
      %dma_wait3A_79 = tpu.memref_slice %arg7[%mul3A_57, %dma_wait3A_78] : memref<125x80xi32, #tpu.memory_space<vmem>> -> memref<1x80xi32, #tpu.memory_space<vmem>>
      %dma_wait3A_80 = tpu.memref_squeeze %dma_wait3A_79 : memref<1x80xi32, #tpu.memory_space<vmem>> -> memref<80xi32, #tpu.memory_space<vmem>>
      %dma_wait3A_81 = arith.constant 0 : i32
      %dma_wait3A_82 = arith.constant 0 : i32
      %dma_wait3A_83 = tpu.memref_slice %arg10[%dma_wait3A_81, %dma_wait3A_82] : memref<10000x128xf32, #tpu.memory_space<vmem_shared>> -> memref<10000x128xf32, #tpu.memory_space<vmem_shared>>
      tpu.wait_indirect_dma semaphore(%arg13 : memref<!tpu.dma_semaphore, #tpu.memory_space<semaphore_mem>>) src(%arg8 : memref<80x128xf32, #tpu.memory_space<vmem>>) dst(%dma_wait3A_83 : memref<10000x128xf32, #tpu.memory_space<vmem_shared>>)
      %add3A_84 = arith.constant 2 : i32
      %add3A_85 = arith.addi %mul3A_57, %add3A_84 : i32
      %mul3A_86 = arith.constant 80 : i32
      %mul3A_87 = arith.muli %add3A_85, %mul3A_86 : i32
      %dma_start3A_88 = tpu.memref_slice %arg6[%mul3A_87] : memref<10000xi32, #tpu.memory_space<vmem>> -> memref<80xi32, #tpu.memory_space<vmem>>
      %dma_start3A_89 = arith.constant 0 : i32
      %dma_start3A_90 = arith.constant 0 : i32
      %dma_start3A_91 = tpu.memref_slice %arg2[%dma_start3A_89, %dma_start3A_90] : memref<10000x128xf32, #tpu.memory_space<hbm>> -> memref<10000x128xf32, #tpu.memory_space<hbm>>
      tpu.enqueue_indirect_dma source(%dma_start3A_91 : memref<10000x128xf32, #tpu.memory_space<hbm>>) target(%arg8 : memref<80x128xf32, #tpu.memory_space<vmem>>) offsets(%dma_start3A_88 : memref<80xi32, #tpu.memory_space<vmem>>) semaphore(%arg11 : memref<!tpu.dma_semaphore, #tpu.memory_space<semaphore_mem>>)
      %add3A_92 = arith.constant 1 : i32
      %add3A_93 = arith.addi %mul3A_57, %add3A_92 : i32
      %mul3A_94 = arith.constant 80 : i32
      %mul3A_95 = arith.muli %add3A_93, %mul3A_94 : i32
      %dma_wait3A_96 = tpu.memref_slice %arg6[%mul3A_95] : memref<10000xi32, #tpu.memory_space<vmem>> -> memref<80xi32, #tpu.memory_space<vmem>>
      %dma_wait3A_97 = arith.constant 0 : i32
      %dma_wait3A_98 = arith.constant 0 : i32
      %dma_wait3A_99 = tpu.memref_slice %arg2[%dma_wait3A_97, %dma_wait3A_98] : memref<10000x128xf32, #tpu.memory_space<hbm>> -> memref<10000x128xf32, #tpu.memory_space<hbm>>
      tpu.wait_indirect_dma semaphore(%arg12 : memref<!tpu.dma_semaphore, #tpu.memory_space<semaphore_mem>>) src(%dma_wait3A_99 : memref<10000x128xf32, #tpu.memory_space<hbm>>) dst(%arg9 : memref<80x128xf32, #tpu.memory_space<vmem>>)
      %add3A_100 = arith.constant 1 : i32
      %add3A_101 = arith.addi %mul3A_57, %add3A_100 : i32
      %dma_start3A_102 = arith.constant 0 : i32
      %dma_start3A_103 = tpu.memref_slice %arg7[%add3A_101, %dma_start3A_102] : memref<125x80xi32, #tpu.memory_space<vmem>> -> memref<1x80xi32, #tpu.memory_space<vmem>>
      %dma_start3A_104 = tpu.memref_squeeze %dma_start3A_103 : memref<1x80xi32, #tpu.memory_space<vmem>> -> memref<80xi32, #tpu.memory_space<vmem>>
      %dma_start3A_105 = arith.constant 0 : i32
      %dma_start3A_106 = arith.constant 0 : i32
      %dma_start3A_107 = tpu.memref_slice %arg10[%dma_start3A_105, %dma_start3A_106] : memref<10000x128xf32, #tpu.memory_space<vmem_shared>> -> memref<10000x128xf32, #tpu.memory_space<vmem_shared>>
      tpu.enqueue_indirect_dma source(%arg9 : memref<80x128xf32, #tpu.memory_space<vmem>>) target(%dma_start3A_107 : memref<10000x128xf32, #tpu.memory_space<vmem_shared>>) offsets(%dma_start3A_104 : memref<80xi32, #tpu.memory_space<vmem>>) semaphore(%arg14 : memref<!tpu.dma_semaphore, #tpu.memory_space<semaphore_mem>>) {add = true}
      %add3A_108 = arith.constant 1 : i32
      %add3A_109 = arith.addi %mul3A_57, %add3A_108 : i32
      %dma_wait3A_110 = arith.constant 0 : i32
      %dma_wait3A_111 = tpu.memref_slice %arg7[%add3A_109, %dma_wait3A_110] : memref<125x80xi32, #tpu.memory_space<vmem>> -> memref<1x80xi32, #tpu.memory_space<vmem>>
      %dma_wait3A_112 = tpu.memref_squeeze %dma_wait3A_111 : memref<1x80xi32, #tpu.memory_space<vmem>> -> memref<80xi32, #tpu.memory_space<vmem>>
      %dma_wait3A_113 = arith.constant 0 : i32
      %dma_wait3A_114 = arith.constant 0 : i32
      %dma_wait3A_115 = tpu.memref_slice %arg10[%dma_wait3A_113, %dma_wait3A_114] : memref<10000x128xf32, #tpu.memory_space<vmem_shared>> -> memref<10000x128xf32, #tpu.memory_space<vmem_shared>>
      tpu.wait_indirect_dma semaphore(%arg14 : memref<!tpu.dma_semaphore, #tpu.memory_space<semaphore_mem>>) src(%arg9 : memref<80x128xf32, #tpu.memory_space<vmem>>) dst(%dma_wait3A_115 : memref<10000x128xf32, #tpu.memory_space<vmem_shared>>)
    }
    %scan3A_42 = arith.constant 62 : i32
    %dma_wait3A_43 = arith.constant 9920 : i32
    %dma_wait3A_44 = tpu.memref_slice %arg6[%dma_wait3A_43] : memref<10000xi32, #tpu.memory_space<vmem>> -> memref<80xi32, #tpu.memory_space<vmem>>
    %dma_wait3A_45 = arith.constant 0 : i32
    %dma_wait3A_46 = arith.constant 0 : i32
    %dma_wait3A_47 = tpu.memref_slice %arg2[%dma_wait3A_45, %dma_wait3A_46] : memref<10000x128xf32, #tpu.memory_space<hbm>> -> memref<10000x128xf32, #tpu.memory_space<hbm>>
    tpu.wait_indirect_dma semaphore(%arg11 : memref<!tpu.dma_semaphore, #tpu.memory_space<semaphore_mem>>) src(%dma_wait3A_47 : memref<10000x128xf32, #tpu.memory_space<hbm>>) dst(%arg8 : memref<80x128xf32, #tpu.memory_space<vmem>>)
    %run_scoped3A = arith.constant 124 : i32
    "tpu.region"() ({
      %run_scoped3A_55 = tpu.sem_alloc : memref<!tpu.dma_semaphore, #tpu.memory_space<semaphore_mem>>
      %dma_start3A_56 = arith.constant 0 : i32
      %dma_start3A_57 = tpu.memref_slice %arg7[%run_scoped3A, %dma_start3A_56] : memref<125x80xi32, #tpu.memory_space<vmem>> -> memref<1x80xi32, #tpu.memory_space<vmem>>
      %dma_start3A_58 = tpu.memref_squeeze %dma_start3A_57 : memref<1x80xi32, #tpu.memory_space<vmem>> -> memref<80xi32, #tpu.memory_space<vmem>>
      %dma_start3A_59 = arith.constant 0 : i32
      %dma_start3A_60 = arith.constant 0 : i32
      %dma_start3A_61 = tpu.memref_slice %arg10[%dma_start3A_59, %dma_start3A_60] : memref<10000x128xf32, #tpu.memory_space<vmem_shared>> -> memref<10000x128xf32, #tpu.memory_space<vmem_shared>>
      tpu.enqueue_indirect_dma source(%arg8 : memref<80x128xf32, #tpu.memory_space<vmem>>) target(%dma_start3A_61 : memref<10000x128xf32, #tpu.memory_space<vmem_shared>>) offsets(%dma_start3A_58 : memref<80xi32, #tpu.memory_space<vmem>>) semaphore(%run_scoped3A_55 : memref<!tpu.dma_semaphore, #tpu.memory_space<semaphore_mem>>) {add = true}
      %dma_wait3A_62 = arith.constant 0 : i32
      %dma_wait3A_63 = tpu.memref_slice %arg7[%run_scoped3A, %dma_wait3A_62] : memref<125x80xi32, #tpu.memory_space<vmem>> -> memref<1x80xi32, #tpu.memory_space<vmem>>
      %dma_wait3A_64 = tpu.memref_squeeze %dma_wait3A_63 : memref<1x80xi32, #tpu.memory_space<vmem>> -> memref<80xi32, #tpu.memory_space<vmem>>
      %dma_wait3A_65 = arith.constant 0 : i32
      %dma_wait3A_66 = arith.constant 0 : i32
      %dma_wait3A_67 = tpu.memref_slice %arg10[%dma_wait3A_65, %dma_wait3A_66] : memref<10000x128xf32, #tpu.memory_space<vmem_shared>> -> memref<10000x128xf32, #tpu.memory_space<vmem_shared>>
      tpu.wait_indirect_dma semaphore(%run_scoped3A_55 : memref<!tpu.dma_semaphore, #tpu.memory_space<semaphore_mem>>) src(%arg8 : memref<80x128xf32, #tpu.memory_space<vmem>>) dst(%dma_wait3A_67 : memref<10000x128xf32, #tpu.memory_space<vmem_shared>>)
      tpu.yield
    }) : () -> ()
    %barrier3A_48 = arith.constant 0 : index
    tpu.barrier barrier_id(%barrier3A_48)
    %scan3A_49 = arith.constant 0 : i32
    %scan3A_50 = arith.constant 0 : i32
    %scan3A_51 = arith.constant 8 : i32
    %scan3A_52 = arith.addi %scan3A_50, %scan3A_51 : i32
    %scan3A_53 = arith.constant 1 : i32
    scf.for %scan3A_55 = %scan3A_50 to %scan3A_52 step %scan3A_53  : i32 {
      %mul3A_56 = arith.constant 16 : i32
      %mul3A_57 = arith.muli %scan3A_55, %mul3A_56 : i32
      %add3A_58 = arith.addi %arg1, %mul3A_57 : i32
      %lt3A = arith.constant 125 : i32
      %lt3A_59 = arith.cmpi slt, %add3A_58, %lt3A : i32
      %convert_element_type3A = arith.extui %lt3A_59 : i1 to i32
      %cond3A = arith.constant 0 : i32
      %cond3A_60 = arith.cmpi ne, %convert_element_type3A, %cond3A : i32
      scf.if %cond3A_60 {
        %mul3A_61 = arith.constant 80 : i32
        %mul3A_62 = arith.muli %add3A_58, %mul3A_61 : i32
        "tpu.region"() ({
          %run_scoped3A_63 = tpu.sem_alloc : memref<!tpu.dma_semaphore, #tpu.memory_space<semaphore_mem>>
          %dma_start3A_64 = arith.constant 0 : i32
          %dma_start3A_65 = tpu.memref_slice %arg5[%arg0, %mul3A_62, %dma_start3A_64] : memref<2x10000x128xf32, #tpu.memory_space<hbm>> -> memref<1x80x128xf32, #tpu.memory_space<hbm>>
          %dma_start3A_66 = tpu.memref_squeeze %dma_start3A_65 : memref<1x80x128xf32, #tpu.memory_space<hbm>> -> memref<80x128xf32, #tpu.memory_space<hbm>>
          %dma_start3A_67 = arith.constant 0 : i32
          %dma_start3A_68 = tpu.memref_slice %arg10[%mul3A_62, %dma_start3A_67] : memref<10000x128xf32, #tpu.memory_space<vmem_shared>> -> memref<80x128xf32, #tpu.memory_space<vmem_shared>>
          tpu.enqueue_dma source(%dma_start3A_68 : memref<80x128xf32, #tpu.memory_space<vmem_shared>>) target(%dma_start3A_66 : memref<80x128xf32, #tpu.memory_space<hbm>>) target_semaphore(%run_scoped3A_63 : memref<!tpu.dma_semaphore, #tpu.memory_space<semaphore_mem>>)
          %dma_wait3A_69 = arith.constant 0 : i32
          %dma_wait3A_70 = tpu.memref_slice %arg5[%arg0, %mul3A_62, %dma_wait3A_69] : memref<2x10000x128xf32, #tpu.memory_space<hbm>> -> memref<1x80x128xf32, #tpu.memory_space<hbm>>
          %dma_wait3A_71 = tpu.memref_squeeze %dma_wait3A_70 : memref<1x80x128xf32, #tpu.memory_space<hbm>> -> memref<80x128xf32, #tpu.memory_space<hbm>>
          %dma_wait3A_72 = arith.constant 0 : i32
          %dma_wait3A_73 = tpu.memref_slice %arg10[%mul3A_62, %dma_wait3A_72] : memref<10000x128xf32, #tpu.memory_space<vmem_shared>> -> memref<80x128xf32, #tpu.memory_space<vmem_shared>>
          tpu.wait_dma2 semaphore(%run_scoped3A_63 : memref<!tpu.dma_semaphore, #tpu.memory_space<semaphore_mem>>) src(%dma_wait3A_73 : memref<80x128xf32, #tpu.memory_space<vmem_shared>>) dst(%dma_wait3A_71 : memref<80x128xf32, #tpu.memory_space<hbm>>)
          tpu.yield
        }) : () -> ()
      } else {
      }
    }
    %scan3A_54 = arith.constant 8 : i32
    return
  }
}

#map = affine_map<(d0, d1) -> (0)>
#map1 = affine_map<(d0, d1) -> (0, 0)>
module attributes {stable_mosaic.version = 14 : i64} {
  func.func @_deg_body(%arg0: i32, %arg1: i32, %arg2: memref<320000xi32, #tpu.memory_space<hbm>>, %arg3: memref<32x10000xf32, #tpu.memory_space<hbm>>, %arg4: memref<10000xi32, #tpu.memory_space<vmem>>, %arg5: memref<10000xf32, #tpu.memory_space<vmem>>) attributes {dimension_semantics = [#tpu.dimension_semantics<core_parallel>, #tpu.dimension_semantics<subcore_parallel>], iteration_bounds = array<i64: 2, 16>, scalar_prefetch = 0 : i64, scratch_operands = 2 : i64, tpu.core_type = #tpu.core_type<sc_vector_subcore>, window_params = [{transform_indices = #map}, {transform_indices = #map1}]} {
    %mul3A = arith.constant 16 : i32
    %mul3A_0 = arith.muli %arg0, %mul3A : i32
    %add3A = arith.addi %mul3A_0, %arg1 : i32
    %mul3A_1 = arith.constant 10000 : i32
    %mul3A_2 = arith.muli %add3A, %mul3A_1 : i32
    "tpu.region"() ({
      %run_scoped3A = tpu.sem_alloc : memref<!tpu.dma_semaphore, #tpu.memory_space<semaphore_mem>>
      %dma_start3A = tpu.memref_slice %arg2[%mul3A_2] : memref<320000xi32, #tpu.memory_space<hbm>> -> memref<10000xi32, #tpu.memory_space<hbm>>
      %dma_start3A_14 = tpu.memref_slice %arg2[%mul3A_2] : memref<320000xi32, #tpu.memory_space<hbm>> -> memref<10000xi32, #tpu.memory_space<hbm>>
      tpu.enqueue_dma source(%dma_start3A_14 : memref<10000xi32, #tpu.memory_space<hbm>>) target(%arg4 : memref<10000xi32, #tpu.memory_space<vmem>>) target_semaphore(%run_scoped3A : memref<!tpu.dma_semaphore, #tpu.memory_space<semaphore_mem>>)
      %dma_wait3A = tpu.memref_slice %arg2[%mul3A_2] : memref<320000xi32, #tpu.memory_space<hbm>> -> memref<10000xi32, #tpu.memory_space<hbm>>
      %dma_wait3A_15 = tpu.memref_slice %arg2[%mul3A_2] : memref<320000xi32, #tpu.memory_space<hbm>> -> memref<10000xi32, #tpu.memory_space<hbm>>
      tpu.wait_dma2 semaphore(%run_scoped3A : memref<!tpu.dma_semaphore, #tpu.memory_space<semaphore_mem>>) src(%dma_wait3A_15 : memref<10000xi32, #tpu.memory_space<hbm>>) dst(%arg4 : memref<10000xi32, #tpu.memory_space<vmem>>)
      tpu.yield
    }) : () -> ()
    %scan3A = arith.constant 0 : i32
    %scan3A_3 = arith.constant 0 : i32
    %scan3A_4 = arith.constant 625 : i32
    %scan3A_5 = arith.addi %scan3A_3, %scan3A_4 : i32
    %scan3A_6 = arith.constant 1 : i32
    scf.for %scan3A_14 = %scan3A_3 to %scan3A_5 step %scan3A_6  : i32 {
      %broadcast_in_dim3A = arith.constant 0.000000e+00 : f32
      %broadcast_in_dim3A_15 = vector.broadcast %broadcast_in_dim3A : f32 to vector<16xf32>
      %mul3A_16 = arith.constant 16 : i32
      %mul3A_17 = arith.muli %scan3A_14, %mul3A_16 : i32
      %swap3A = arith.index_cast %mul3A_17 : i32 to index
      %swap3A_18 = tpu.vector_load %arg5[%swap3A] {strides = array<i32>} : memref<10000xf32, #tpu.memory_space<vmem>>, vector<16xf32>,
      tpu.vector_store %arg5[%swap3A], %broadcast_in_dim3A_15 {strides = array<i32>} : memref<10000xf32, #tpu.memory_space<vmem>>, vector<16xf32>,
    }
    %scan3A_7 = arith.constant 625 : i32
    %scan3A_8 = arith.constant 0 : i32
    %scan3A_9 = arith.constant 0 : i32
    %scan3A_10 = arith.constant 625 : i32
    %scan3A_11 = arith.addi %scan3A_9, %scan3A_10 : i32
    %scan3A_12 = arith.constant 1 : i32
    scf.for %scan3A_14 = %scan3A_9 to %scan3A_11 step %scan3A_12  : i32 {
      %mul3A_15 = arith.constant 16 : i32
      %mul3A_16 = arith.muli %scan3A_14, %mul3A_15 : i32
      %get3A = arith.index_cast %mul3A_16 : i32 to index
      %get3A_17 = tpu.vector_load %arg4[%get3A] {strides = array<i32>} : memref<10000xi32, #tpu.memory_space<vmem>>, vector<16xi32>,
      %broadcast_in_dim3A = arith.constant true
      %broadcast_in_dim3A_18 = vector.broadcast %broadcast_in_dim3A : i1 to vector<16xi1>
      %unique3A, %unique3A_19 = tpu.scan_count mask(%broadcast_in_dim3A_18 : vector<16xi1>) value(%get3A_17 : vector<16xi32>) : vector<16xi1>, vector<16xi32>
      %convert_element_type3A = arith.sitofp %unique3A_19 : vector<16xi32> to vector<16xf32>
      tpu.vector_store_idx %arg5[%get3A_17], %convert_element_type3A masked %unique3A {add = true} : memref<10000xf32, #tpu.memory_space<vmem>>[vector<16xi32>], vector<16xf32>, vector<16xi1>
    }
    %scan3A_13 = arith.constant 625 : i32
    "tpu.region"() ({
      %run_scoped3A = tpu.sem_alloc : memref<!tpu.dma_semaphore, #tpu.memory_space<semaphore_mem>>
      %dma_start3A = arith.constant 0 : i32
      %dma_start3A_14 = tpu.memref_slice %arg3[%add3A, %dma_start3A] : memref<32x10000xf32, #tpu.memory_space<hbm>> -> memref<1x10000xf32, #tpu.memory_space<hbm>>
      %dma_start3A_15 = tpu.memref_squeeze %dma_start3A_14 : memref<1x10000xf32, #tpu.memory_space<hbm>> -> memref<10000xf32, #tpu.memory_space<hbm>>
      %dma_start3A_16 = arith.constant 0 : i32
      %dma_start3A_17 = tpu.memref_slice %arg3[%add3A, %dma_start3A_16] : memref<32x10000xf32, #tpu.memory_space<hbm>> -> memref<1x10000xf32, #tpu.memory_space<hbm>>
      %dma_start3A_18 = tpu.memref_squeeze %dma_start3A_17 : memref<1x10000xf32, #tpu.memory_space<hbm>> -> memref<10000xf32, #tpu.memory_space<hbm>>
      tpu.enqueue_dma source(%arg5 : memref<10000xf32, #tpu.memory_space<vmem>>) target(%dma_start3A_18 : memref<10000xf32, #tpu.memory_space<hbm>>) target_semaphore(%run_scoped3A : memref<!tpu.dma_semaphore, #tpu.memory_space<semaphore_mem>>)
      %dma_wait3A = arith.constant 0 : i32
      %dma_wait3A_19 = tpu.memref_slice %arg3[%add3A, %dma_wait3A] : memref<32x10000xf32, #tpu.memory_space<hbm>> -> memref<1x10000xf32, #tpu.memory_space<hbm>>
      %dma_wait3A_20 = tpu.memref_squeeze %dma_wait3A_19 : memref<1x10000xf32, #tpu.memory_space<hbm>> -> memref<10000xf32, #tpu.memory_space<hbm>>
      %dma_wait3A_21 = arith.constant 0 : i32
      %dma_wait3A_22 = tpu.memref_slice %arg3[%add3A, %dma_wait3A_21] : memref<32x10000xf32, #tpu.memory_space<hbm>> -> memref<1x10000xf32, #tpu.memory_space<hbm>>
      %dma_wait3A_23 = tpu.memref_squeeze %dma_wait3A_22 : memref<1x10000xf32, #tpu.memory_space<hbm>> -> memref<10000xf32, #tpu.memory_space<hbm>>
      tpu.wait_dma2 semaphore(%run_scoped3A : memref<!tpu.dma_semaphore, #tpu.memory_space<semaphore_mem>>) src(%arg5 : memref<10000xf32, #tpu.memory_space<vmem>>) dst(%dma_wait3A_23 : memref<10000xf32, #tpu.memory_space<hbm>>)
      tpu.yield
    }) : () -> ()
    return
  }
}

module attributes {stable_mosaic.version = 14 : i64} {
  func.func @_mmh_body(%arg0: i32, %arg1: memref<1000x128xf32, #tpu.memory_space<vmem>>, %arg2: memref<128x128xf32, #tpu.memory_space<vmem>>, %arg3: memref<1000x128xf32, #tpu.memory_space<vmem>>) attributes {dimension_semantics = [#tpu.dimension_semantics<arbitrary>], iteration_bounds = array<i64: 10>, scalar_prefetch = 0 : i64, scratch_operands = 0 : i64, tpu.core_type = #tpu.core_type<tc>, window_params = [{transform_indices = @transform_0, window_bounds = array<i64: 1000, 128>}, {pipeline_mode = #tpu.pipeline_mode<synchronous>, transform_indices = @transform_1, window_bounds = array<i64: 128, 128>}, {transform_indices = @transform_2, window_bounds = array<i64: 1000, 128>}]} {
    %get3A = arith.constant 0 : index
    %get3A_0 = arith.constant 0 : index
    %get3A_1 = vector.load %arg1[%get3A, %get3A_0] : memref<1000x128xf32, #tpu.memory_space<vmem>>, vector<1000x128xf32>
    %get3A_2 = arith.constant 0 : index
    %get3A_3 = arith.constant 0 : index
    %get3A_4 = vector.load %arg2[%get3A_2, %get3A_3] : memref<128x128xf32, #tpu.memory_space<vmem>>, vector<128x128xf32>
    %dot_general3A = arith.constant dense<0.000000e+00> : vector<1000x128xf32>
    %dot_general3A_5 = tpu.matmul %get3A_1, %get3A_4, %dot_general3A {dimension_numbers = #tpu.dot_dimension_numbers<[1], [0], [0], [1], [0, 0, 1, 1], [], []>, transpose_lhs_hint = false} : vector<1000x128xf32>, vector<128x128xf32>, vector<1000x128xf32> -> vector<1000x128xf32>
    %swap3A = arith.constant 0 : index
    %swap3A_6 = arith.constant 0 : index
    %swap3A_7 = vector.load %arg3[%swap3A, %swap3A_6] : memref<1000x128xf32, #tpu.memory_space<vmem>>, vector<1000x128xf32>
    tpu.vector_store %arg3[%swap3A, %swap3A_6], %dot_general3A_5 {strides = array<i32>} : memref<1000x128xf32, #tpu.memory_space<vmem>>, vector<1000x128xf32>,
    return
  }
  func.func @transform_0(%arg0: i32) -> (i32, i32) {
    %c0_i32 = arith.constant 0 : i32
    %c0_i32_0 = arith.constant 0 : i32
    return %arg0, %c0_i32 : i32, i32
  }
  func.func @transform_1(%arg0: i32) -> (i32, i32) {
    %c0_i32 = arith.constant 0 : i32
    %c0_i32_0 = arith.constant 0 : i32
    %c0_i32_1 = arith.constant 0 : i32
    return %c0_i32, %c0_i32_0 : i32, i32
  }
  func.func @transform_2(%arg0: i32) -> (i32, i32) {
    %c0_i32 = arith.constant 0 : i32
    %c0_i32_0 = arith.constant 0 : i32
    return %arg0, %c0_i32 : i32, i32
  }
}

module attributes {stable_mosaic.version = 14 : i64} {
  func.func @_pre_body(%arg0: i32, %arg1: memref<32x10000xf32, #tpu.memory_space<vmem>>, %arg2: memref<10000x128xf32, #tpu.memory_space<vmem>>, %arg3: memref<10000x1xf32, #tpu.memory_space<vmem>>, %arg4: memref<10000x128xf32, #tpu.memory_space<vmem>>) attributes {dimension_semantics = [#tpu.dimension_semantics<arbitrary>], iteration_bounds = array<i64: 1>, scalar_prefetch = 0 : i64, scratch_operands = 0 : i64, tpu.core_type = #tpu.core_type<tc>, window_params = [{pipeline_mode = #tpu.pipeline_mode<synchronous>, transform_indices = @transform_0, window_bounds = array<i64: 32, 10000>}, {pipeline_mode = #tpu.pipeline_mode<synchronous>, transform_indices = @transform_1, window_bounds = array<i64: 10000, 128>}, {pipeline_mode = #tpu.pipeline_mode<synchronous>, transform_indices = @transform_2, window_bounds = array<i64: 10000, 1>}, {pipeline_mode = #tpu.pipeline_mode<synchronous>, transform_indices = @transform_3, window_bounds = array<i64: 10000, 128>}]} {
    %get3A = arith.constant 0 : index
    %get3A_0 = arith.constant 0 : index
    %get3A_1 = vector.load %arg1[%get3A, %get3A_0] : memref<32x10000xf32, #tpu.memory_space<vmem>>, vector<32x10000xf32>
    %reduce_sum3A = arith.constant dense<0.000000e+00> : vector<10000xf32>
    %reduce_sum3A_2 = vector.multi_reduction <add>, %get3A_1, %reduce_sum3A [0] : vector<32x10000xf32> to vector<10000xf32>
    %add3A = arith.constant 1.000000e+00 : f32
    %add3A_3 = vector.broadcast %add3A : f32 to vector<10000xf32>
    %add3A_4 = arith.addf %reduce_sum3A_2, %add3A_3 : vector<10000xf32>
    %rsqrt3A = math.rsqrt %add3A_4 : vector<10000xf32>
    %broadcast_in_dim3A = vector.shape_cast %rsqrt3A : vector<10000xf32> to vector<10000x1xf32>
    %swap3A = arith.constant 0 : index
    %swap3A_5 = arith.constant 0 : index
    %swap3A_6 = vector.load %arg3[%swap3A, %swap3A_5] : memref<10000x1xf32, #tpu.memory_space<vmem>>, vector<10000x1xf32>
    tpu.vector_store %arg3[%swap3A, %swap3A_5], %broadcast_in_dim3A {strides = array<i32>} : memref<10000x1xf32, #tpu.memory_space<vmem>>, vector<10000x1xf32>,
    %get3A_7 = arith.constant 0 : index
    %get3A_8 = arith.constant 0 : index
    %get3A_9 = vector.load %arg2[%get3A_7, %get3A_8] : memref<10000x128xf32, #tpu.memory_space<vmem>>, vector<10000x128xf32>
    %mul3A = vector.broadcast %broadcast_in_dim3A : vector<10000x1xf32> to vector<10000x128xf32>
    %mul3A_10 = arith.mulf %get3A_9, %mul3A : vector<10000x128xf32>
    %swap3A_11 = arith.constant 0 : index
    %swap3A_12 = arith.constant 0 : index
    %swap3A_13 = vector.load %arg4[%swap3A_11, %swap3A_12] : memref<10000x128xf32, #tpu.memory_space<vmem>>, vector<10000x128xf32>
    tpu.vector_store %arg4[%swap3A_11, %swap3A_12], %mul3A_10 {strides = array<i32>} : memref<10000x128xf32, #tpu.memory_space<vmem>>, vector<10000x128xf32>,
    return
  }
  func.func @transform_0(%arg0: i32) -> (i32, i32) {
    %c0_i32 = arith.constant 0 : i32
    %c0_i32_0 = arith.constant 0 : i32
    %c0_i32_1 = arith.constant 0 : i32
    return %c0_i32, %c0_i32_0 : i32, i32
  }
  func.func @transform_1(%arg0: i32) -> (i32, i32) {
    %c0_i32 = arith.constant 0 : i32
    %c0_i32_0 = arith.constant 0 : i32
    %c0_i32_1 = arith.constant 0 : i32
    return %c0_i32, %c0_i32_0 : i32, i32
  }
  func.func @transform_2(%arg0: i32) -> (i32, i32) {
    %c0_i32 = arith.constant 0 : i32
    %c0_i32_0 = arith.constant 0 : i32
    %c0_i32_1 = arith.constant 0 : i32
    return %c0_i32, %c0_i32_0 : i32, i32
  }
  func.func @transform_3(%arg0: i32) -> (i32, i32) {
    %c0_i32 = arith.constant 0 : i32
    %c0_i32_0 = arith.constant 0 : i32
    %c0_i32_1 = arith.constant 0 : i32
    return %c0_i32, %c0_i32_0 : i32, i32
  }
}

module attributes {stable_mosaic.version = 14 : i64} {
  func.func @_post_body(%arg0: i32, %arg1: memref<2x1000x128xf32, #tpu.memory_space<vmem>>, %arg2: memref<1000x128xf32, #tpu.memory_space<vmem>>, %arg3: memref<1000x1xf32, #tpu.memory_space<vmem>>, %arg4: memref<1x128xf32, #tpu.memory_space<vmem>>, %arg5: memref<1x128xf32, #tpu.memory_space<vmem>>, %arg6: memref<1x128xf32, #tpu.memory_space<vmem>>, %arg7: memref<1000x128xf32, #tpu.memory_space<vmem>>, %arg8: memref<10000x128xf32, #tpu.memory_space<vmem>>, %arg9: memref<1x128xf32, #tpu.memory_space<vmem>>, %arg10: memref<1x128xf32, #tpu.memory_space<vmem>>) attributes {dimension_semantics = [#tpu.dimension_semantics<arbitrary>], iteration_bounds = array<i64: 20>, scalar_prefetch = 0 : i64, scratch_operands = 3 : i64, tpu.core_type = #tpu.core_type<tc>, window_params = [{transform_indices = @transform_0, window_bounds = array<i64: 2, 1000, 128>}, {transform_indices = @transform_1, window_bounds = array<i64: 1000, 128>}, {transform_indices = @transform_2, window_bounds = array<i64: 1000, 1>}, {pipeline_mode = #tpu.pipeline_mode<synchronous>, transform_indices = @transform_3, window_bounds = array<i64: 1, 128>}, {pipeline_mode = #tpu.pipeline_mode<synchronous>, transform_indices = @transform_4, window_bounds = array<i64: 1, 128>}, {pipeline_mode = #tpu.pipeline_mode<synchronous>, transform_indices = @transform_5, window_bounds = array<i64: 1, 128>}, {transform_indices = @transform_6, window_bounds = array<i64: 1000, 128>}]} {
    %lt3A = arith.constant 10 : i32
    %lt3A_0 = arith.cmpi slt, %arg0, %lt3A : i32
    %convert_element_type3A = arith.extui %lt3A_0 : i1 to i32
    %cond3A = arith.constant 0 : i32
    %cond3A_1 = arith.cmpi ne, %convert_element_type3A, %cond3A : i32
    scf.if %cond3A_1 {
      %get3A = arith.constant 0 : index
      %get3A_6 = arith.constant 0 : index
      %get3A_7 = arith.constant 0 : index
      %get3A_8 = vector.load %arg1[%get3A, %get3A_6, %get3A_7] : memref<2x1000x128xf32, #tpu.memory_space<vmem>>, vector<1x1000x128xf32>
      %get3A_9 = vector.shape_cast %get3A_8 : vector<1x1000x128xf32> to vector<1000x128xf32>
      %get3A_10 = arith.constant 1 : index
      %get3A_11 = arith.constant 0 : index
      %get3A_12 = arith.constant 0 : index
      %get3A_13 = vector.load %arg1[%get3A_10, %get3A_11, %get3A_12] : memref<2x1000x128xf32, #tpu.memory_space<vmem>>, vector<1x1000x128xf32>
      %get3A_14 = vector.shape_cast %get3A_13 : vector<1x1000x128xf32> to vector<1000x128xf32>
      %add3A = arith.addf %get3A_9, %get3A_14 : vector<1000x128xf32>
      %get3A_15 = arith.constant 0 : index
      %get3A_16 = arith.constant 0 : index
      %get3A_17 = vector.load %arg2[%get3A_15, %get3A_16] : memref<1000x128xf32, #tpu.memory_space<vmem>>, vector<1000x128xf32>
      %add3A_18 = arith.addf %add3A, %get3A_17 : vector<1000x128xf32>
      %get3A_19 = arith.constant 0 : index
      %get3A_20 = arith.constant 0 : index
      %get3A_21 = vector.load %arg3[%get3A_19, %get3A_20] : memref<1000x1xf32, #tpu.memory_space<vmem>>, vector<1000x1xf32>
      %mul3A = vector.broadcast %get3A_21 : vector<1000x1xf32> to vector<1000x128xf32>
      %mul3A_22 = arith.mulf %add3A_18, %mul3A : vector<1000x128xf32>
      %get3A_23 = arith.constant 0 : index
      %get3A_24 = arith.constant 0 : index
      %get3A_25 = vector.load %arg4[%get3A_23, %get3A_24] : memref<1x128xf32, #tpu.memory_space<vmem>>, vector<1x128xf32>
      %add3A_26 = vector.broadcast %get3A_25 : vector<1x128xf32> to vector<1000x128xf32>
      %add3A_27 = arith.addf %mul3A_22, %add3A_26 : vector<1000x128xf32>
      %mul3A_28 = arith.constant 1000 : i32
      %mul3A_29 = arith.muli %arg0, %mul3A_28 : i32
      %swap3A = arith.index_cast %mul3A_29 : i32 to index
      %swap3A_30 = arith.constant 0 : index
      %swap3A_31 = vector.load %arg8[%swap3A, %swap3A_30] : memref<10000x128xf32, #tpu.memory_space<vmem>>, vector<1000x128xf32>
      tpu.vector_store %arg8[%swap3A, %swap3A_30], %add3A_27 {strides = array<i32>} : memref<10000x128xf32, #tpu.memory_space<vmem>>, vector<1000x128xf32>,
      %reduce_sum3A = arith.constant dense<0.000000e+00> : vector<128xf32>
      %reduce_sum3A_32 = vector.multi_reduction <add>, %add3A_27, %reduce_sum3A [0] : vector<1000x128xf32> to vector<128xf32>
      %broadcast_in_dim3A = vector.shape_cast %reduce_sum3A_32 : vector<128xf32> to vector<1x128xf32>
      %mul3A_33 = arith.mulf %add3A_27, %add3A_27 : vector<1000x128xf32>
      %reduce_sum3A_34 = arith.constant dense<0.000000e+00> : vector<128xf32>
      %reduce_sum3A_35 = vector.multi_reduction <add>, %mul3A_33, %reduce_sum3A_34 [0] : vector<1000x128xf32> to vector<128xf32>
      %broadcast_in_dim3A_36 = vector.shape_cast %reduce_sum3A_35 : vector<128xf32> to vector<1x128xf32>
      %eq3A = arith.constant 0 : i32
      %eq3A_37 = arith.cmpi eq, %arg0, %eq3A : i32
      %convert_element_type3A_38 = arith.extui %eq3A_37 : i1 to i32
      %cond3A_39 = arith.constant 0 : i32
      %cond3A_40 = arith.cmpi ne, %convert_element_type3A_38, %cond3A_39 : i32
      scf.if %cond3A_40 {
        %swap3A_45 = arith.constant 0 : index
        %swap3A_46 = arith.constant 0 : index
        %swap3A_47 = vector.load %arg9[%swap3A_45, %swap3A_46] : memref<1x128xf32, #tpu.memory_space<vmem>>, vector<1x128xf32>
        tpu.vector_store %arg9[%swap3A_45, %swap3A_46], %broadcast_in_dim3A {strides = array<i32>} : memref<1x128xf32, #tpu.memory_space<vmem>>, vector<1x128xf32>,
        %swap3A_48 = arith.constant 0 : index
        %swap3A_49 = arith.constant 0 : index
        %swap3A_50 = vector.load %arg10[%swap3A_48, %swap3A_49] : memref<1x128xf32, #tpu.memory_space<vmem>>, vector<1x128xf32>
        tpu.vector_store %arg10[%swap3A_48, %swap3A_49], %broadcast_in_dim3A_36 {strides = array<i32>} : memref<1x128xf32, #tpu.memory_space<vmem>>, vector<1x128xf32>,
      } else {
      }
      %gt3A = arith.constant 0 : i32
      %gt3A_41 = arith.cmpi sgt, %arg0, %gt3A : i32
      %convert_element_type3A_42 = arith.extui %gt3A_41 : i1 to i32
      %cond3A_43 = arith.constant 0 : i32
      %cond3A_44 = arith.cmpi ne, %convert_element_type3A_42, %cond3A_43 : i32
      scf.if %cond3A_44 {
        %get3A_45 = arith.constant 0 : index
        %get3A_46 = arith.constant 0 : index
        %get3A_47 = vector.load %arg9[%get3A_45, %get3A_46] : memref<1x128xf32, #tpu.memory_space<vmem>>, vector<1x128xf32>
        %add3A_48 = arith.addf %get3A_47, %broadcast_in_dim3A : vector<1x128xf32>
        %swap3A_49 = arith.constant 0 : index
        %swap3A_50 = arith.constant 0 : index
        %swap3A_51 = vector.load %arg9[%swap3A_49, %swap3A_50] : memref<1x128xf32, #tpu.memory_space<vmem>>, vector<1x128xf32>
        tpu.vector_store %arg9[%swap3A_49, %swap3A_50], %add3A_48 {strides = array<i32>} : memref<1x128xf32, #tpu.memory_space<vmem>>, vector<1x128xf32>,
        %get3A_52 = arith.constant 0 : index
        %get3A_53 = arith.constant 0 : index
        %get3A_54 = vector.load %arg10[%get3A_52, %get3A_53] : memref<1x128xf32, #tpu.memory_space<vmem>>, vector<1x128xf32>
        %add3A_55 = arith.addf %get3A_54, %broadcast_in_dim3A_36 : vector<1x128xf32>
        %swap3A_56 = arith.constant 0 : index
        %swap3A_57 = arith.constant 0 : index
        %swap3A_58 = vector.load %arg10[%swap3A_56, %swap3A_57] : memref<1x128xf32, #tpu.memory_space<vmem>>, vector<1x128xf32>
        tpu.vector_store %arg10[%swap3A_56, %swap3A_57], %add3A_55 {strides = array<i32>} : memref<1x128xf32, #tpu.memory_space<vmem>>, vector<1x128xf32>,
      } else {
      }
    } else {
    }
    %ge3A = arith.constant 10 : i32
    %ge3A_2 = arith.cmpi sge, %arg0, %ge3A : i32
    %convert_element_type3A_3 = arith.extui %ge3A_2 : i1 to i32
    %cond3A_4 = arith.constant 0 : i32
    %cond3A_5 = arith.cmpi ne, %convert_element_type3A_3, %cond3A_4 : i32
    scf.if %cond3A_5 {
      %sub3A = arith.constant 10 : i32
      %sub3A_6 = arith.subi %arg0, %sub3A : i32
      %get3A = arith.constant 0 : index
      %get3A_7 = arith.constant 0 : index
      %get3A_8 = vector.load %arg9[%get3A, %get3A_7] : memref<1x128xf32, #tpu.memory_space<vmem>>, vector<1x128xf32>
      %mul3A = arith.constant 9.99999974E-5 : f32
      %mul3A_9 = vector.broadcast %mul3A : f32 to vector<1x128xf32>
      %mul3A_10 = arith.mulf %get3A_8, %mul3A_9 : vector<1x128xf32>
      %get3A_11 = arith.constant 0 : index
      %get3A_12 = arith.constant 0 : index
      %get3A_13 = vector.load %arg10[%get3A_11, %get3A_12] : memref<1x128xf32, #tpu.memory_space<vmem>>, vector<1x128xf32>
      %mul3A_14 = arith.constant 9.99999974E-5 : f32
      %mul3A_15 = vector.broadcast %mul3A_14 : f32 to vector<1x128xf32>
      %mul3A_16 = arith.mulf %get3A_13, %mul3A_15 : vector<1x128xf32>
      %mul3A_17 = arith.mulf %mul3A_10, %mul3A_10 : vector<1x128xf32>
      %sub3A_18 = arith.subf %mul3A_16, %mul3A_17 : vector<1x128xf32>
      %get3A_19 = arith.constant 0 : index
      %get3A_20 = arith.constant 0 : index
      %get3A_21 = vector.load %arg5[%get3A_19, %get3A_20] : memref<1x128xf32, #tpu.memory_space<vmem>>, vector<1x128xf32>
      %add3A = arith.constant 9.99999974E-6 : f32
      %add3A_22 = vector.broadcast %add3A : f32 to vector<1x128xf32>
      %add3A_23 = arith.addf %sub3A_18, %add3A_22 : vector<1x128xf32>
      %rsqrt3A = math.rsqrt %add3A_23 : vector<1x128xf32>
      %mul3A_24 = arith.mulf %get3A_21, %rsqrt3A : vector<1x128xf32>
      %get3A_25 = arith.constant 0 : index
      %get3A_26 = arith.constant 0 : index
      %get3A_27 = vector.load %arg6[%get3A_25, %get3A_26] : memref<1x128xf32, #tpu.memory_space<vmem>>, vector<1x128xf32>
      %mul3A_28 = arith.mulf %mul3A_10, %mul3A_24 : vector<1x128xf32>
      %sub3A_29 = arith.subf %get3A_27, %mul3A_28 : vector<1x128xf32>
      %mul3A_30 = arith.constant 1000 : i32
      %mul3A_31 = arith.muli %sub3A_6, %mul3A_30 : i32
      %get3A_32 = arith.index_cast %mul3A_31 : i32 to index
      %get3A_33 = arith.constant 0 : index
      %get3A_34 = vector.load %arg8[%get3A_32, %get3A_33] : memref<10000x128xf32, #tpu.memory_space<vmem>>, vector<1000x128xf32>
      %mul3A_35 = vector.broadcast %mul3A_24 : vector<1x128xf32> to vector<1000x128xf32>
      %mul3A_36 = arith.mulf %get3A_34, %mul3A_35 : vector<1000x128xf32>
      %add3A_37 = vector.broadcast %sub3A_29 : vector<1x128xf32> to vector<1000x128xf32>
      %add3A_38 = arith.addf %mul3A_36, %add3A_37 : vector<1000x128xf32>
      %max3A = arith.constant 0.000000e+00 : f32
      %max3A_39 = vector.broadcast %max3A : f32 to vector<1000x128xf32>
      %max3A_40 = arith.maximumf %add3A_38, %max3A_39 : vector<1000x128xf32>
      %swap3A = arith.constant 0 : index
      %swap3A_41 = arith.constant 0 : index
      %swap3A_42 = vector.load %arg7[%swap3A, %swap3A_41] : memref<1000x128xf32, #tpu.memory_space<vmem>>, vector<1000x128xf32>
      tpu.vector_store %arg7[%swap3A, %swap3A_41], %max3A_40 {strides = array<i32>} : memref<1000x128xf32, #tpu.memory_space<vmem>>, vector<1000x128xf32>,
    } else {
    }
    return
  }
  func.func @transform_0(%arg0: i32) -> (i32, i32, i32) {
    %min3A = arith.constant 9 : i32
    %min3A_0 = arith.minsi %arg0, %min3A : i32
    %c0_i32 = arith.constant 0 : i32
    %c0_i32_1 = arith.constant 0 : i32
    %c0_i32_2 = arith.constant 0 : i32
    return %c0_i32, %min3A_0, %c0_i32_1 : i32, i32, i32
  }
  func.func @transform_1(%arg0: i32) -> (i32, i32) {
    %min3A = arith.constant 9 : i32
    %min3A_0 = arith.minsi %arg0, %min3A : i32
    %c0_i32 = arith.constant 0 : i32
    %c0_i32_1 = arith.constant 0 : i32
    return %min3A_0, %c0_i32 : i32, i32
  }
  func.func @transform_2(%arg0: i32) -> (i32, i32) {
    %min3A = arith.constant 9 : i32
    %min3A_0 = arith.minsi %arg0, %min3A : i32
    %c0_i32 = arith.constant 0 : i32
    %c0_i32_1 = arith.constant 0 : i32
    return %min3A_0, %c0_i32 : i32, i32
  }
  func.func @transform_3(%arg0: i32) -> (i32, i32) {
    %c0_i32 = arith.constant 0 : i32
    %c0_i32_0 = arith.constant 0 : i32
    %c0_i32_1 = arith.constant 0 : i32
    return %c0_i32, %c0_i32_0 : i32, i32
  }
  func.func @transform_4(%arg0: i32) -> (i32, i32) {
    %c0_i32 = arith.constant 0 : i32
    %c0_i32_0 = arith.constant 0 : i32
    %c0_i32_1 = arith.constant 0 : i32
    return %c0_i32, %c0_i32_0 : i32, i32
  }
  func.func @transform_5(%arg0: i32) -> (i32, i32) {
    %c0_i32 = arith.constant 0 : i32
    %c0_i32_0 = arith.constant 0 : i32
    %c0_i32_1 = arith.constant 0 : i32
    return %c0_i32, %c0_i32_0 : i32, i32
  }
  func.func @transform_6(%arg0: i32) -> (i32, i32) {
    %sub3A = arith.constant 10 : i32
    %sub3A_0 = arith.subi %arg0, %sub3A : i32
    %max3A = arith.constant 0 : i32
    %max3A_1 = arith.maxsi %sub3A_0, %max3A : i32
    %c0_i32 = arith.constant 0 : i32
    %c0_i32_2 = arith.constant 0 : i32
    return %max3A_1, %c0_i32 : i32, i32
  }
}

</mosaic_0001>

<sc_bundles>
// kernel: kernel.10.cloned.1.call-start
scs
__scs_entry_jumppad:
0x0: {  	(pc) =	sbr.rel $0x88, $3  }
0x1: {  	(tag) =	ssettag $0x0;
	lr =	simm.s32 $0x1  }
0x2: {  	[smem:$0x3F9B] =	sst lr;
	_ =	strace $0xD0000000  }
0x3: {  	_ = 	snop  }
0x4: {  	_ = 	snop  }
0x5: {  	_ = 	snop  }
0x6: {  	_ = 	snop  }
0x7: {  	_ = 	snop  }
__scs_overlays_trampoline_lowered:
0x8: {  	[smem:$0x3FAA] =	sst s0  }
0x9: {  	[smem:$0x3FAB] =	sst s1  }
0xa: {  	[smem:$0x3FAC] =	sst s2  }
0xb: {  	[smem:$0x3FAD] =	sst s3  }
0xc: {  	[smem:$0x3FAE] =	sst s4  }
0xd: {  	[smem:$0x3FAF] =	sst s5  }
0xe: {  	[smem:$0x3FB0] =	sst s6  }
0xf: {  	[smem:$0x3FB1] =	sst s7  }
0x10: {  	[smem:$0x3FB2] =	sst s8  }
0x11: {  	[smem:$0x3FB3] =	sst s9;
	s0 =	simm.s32 @!p0 $0x0  }
0x12: {  	s1 =	sld [smem:$0x3F99];
	s0 =	simm.s32 @p0 $0x1  }
0x13: {  	[smem:$0x3FB4] =	sst s0;
	s0 =	simm.s32 @!p1 $0x0  }
0x14: {  	s2 =	sld [smem:$0x3F98];
	s0 =	simm.s32 @p1 $0x1  }
0x15: {  	[smem:$0x3FB5] =	sst s0;
	s0 =	simm.s32 @!p2 $0x0  }
0x16: {  	s3 =	sld [smem:$0x3FDB];
	s0 =	simm.s32 @p2 $0x1  }
0x17: {  	s4 =	simm.s32 $0x1BF5;
	[smem:$0x3FB7] =	sst s0  }
0x18: {  	s0 =	sld [smem:$0x3F9A];
	_ =	swait.ge [sflag:s4], $0x0  }
0x19: {  	s7 =	sld [smem:$0x3F9B]  }
0x1a: {  	s8 =	sadd.s32 $0xFFFFE003, lr  }
0x1b: {  	s9 =	sadd.s32 $0xFFFFFEF7, lr;
	s5 =	simm.s32 $0xFFFFFFFF;
	p2 =	slt.u32 s8, $0xFFFFF086  }
0x1c: {  	p1 =	slt.u32 s9, $0xF7A;
	s5 =	simm.s32 @!p2 $0x0  }
0x1d: {  	s5 =	simm.s32 @p1 $0x1;
	p0 =	seq.s32 s7, s2  }
0x1e: {  	s7 =	smul.u32 @!p0 $0xF7A, s2;
	p2 =	seq.s32 @!p0 s5, $0x0  }
0x1f: {  	s9 =	smul.u32 $0xF7A, s1;
	s8 =	simm.s32 @!p0 $0x1BF5;
	p2 =	por !p2, p0  }
0x20: {  	[sflag:s8] =	ssyncset.s32 @!p0 $0xFFFFF086;
	s6 =	sadd.s32 @!p0 s3, s7;
	s7 =	simm.s32 @!p0 $0x108  }
0x21: {  	s3 =	sadd.s32 s3, s9;
	s6 =	sadd.s32 @!p0 $0x88, s6;
	s7 =	simm.s32 @p2 $0x1082  }
0x22: {  	[simem:s7], [sflag:s8] =	dma.local @!p0 [hbm:s6], $0xF7A  }
0x23: {  	s9 =	sor.u32 $0xD0000000, s2;
	s6 =	simm.s32 $0x108;
	_ =	swait.ge @!p0 [sflag:s8], $0x0  }
0x24: {  	s3 =	sadd.s32 $0x88, s3;
	s6 =	simm.s32 @!p1 $0x1082;
	[sflag:s4] =	ssyncset.s32 $0xFFFFF086  }
0x25: {  	[simem:s6], [sflag:s4] =	dma.local [hbm:s3], $0xF7A  }
0x26: {  	[smem:$0x3F9B] =	sst s1;
	(tag) =	ssettag s2;
	_ =	strace s9  }
0x27: {  	s1 =	sld [smem:$0x3FAB]  }
0x28: {  	s2 =	sld [smem:$0x3FAC]  }
0x29: {  	s4 =	sld [smem:$0x3FAE]  }
0x2a: {  	p0 =	seq.s32 s5, $0x0;
	s5 =	sld [smem:$0x3FAF]  }
0x2b: {  	s6 =	sld [smem:$0x3FB0]  }
0x2c: {  	s7 =	sld [smem:$0x3FB1]  }
0x2d: {  	s3 =	simm.s32 $0x108;
	s8 =	sld [smem:$0x3FB2]  }
0x2e: {  	s3 =	simm.s32 @!p0 $0x1082;
	s9 =	sld [smem:$0x3FB3]  }
0x2f: {  	lr =	sadd.s32 s0, s3;
	s0 =	sld [smem:$0x3FAA]  }
0x30: {  	s3 =	sld [smem:$0x3FAD]  }
0x31: {  	[smem:$0x3FB6] =	sst s10  }
0x32: {  	s10 =	sld [smem:$0x3FB4];
	_ =	sdelay $0x3  }
0x33: {  	p0 =	seq.s32 s10, $0x1;
	s10 =	sld [smem:$0x3FB6];
	_ =	sdelay $0x3  }
0x34: {  	[smem:$0x3FB6] =	sst s10  }
0x35: {  	s10 =	sld [smem:$0x3FB5];
	_ =	sdelay $0x3  }
0x36: {  	p1 =	seq.s32 s10, $0x1;
	s10 =	sld [smem:$0x3FB6];
	_ =	sdelay $0x3  }
0x37: {  	[smem:$0x3FB6] =	sst s10  }
0x38: {  	s10 =	sld [smem:$0x3FB7]  }
0x39: {  	_ = 	snop;
	(pc) =	sbr.ind lr, $3  }
0x3a: {  	_ = 	snop  }
0x3b: {  	_ = 	snop  }
0x3c: {  	p2 =	seq.s32 s10, $0x1;
	s10 =	sld [smem:$0x3FB6]  }
0x3d: {  	_ =	shalt  }
0x3e: {  	_ =	shalt  }
0x3f: {  	_ =	shalt  }
0x40: {  	_ =	shalt  }
0x41: {  	_ =	shalt  }
0x42: {  	_ =	shalt  }
0x43: {  	_ =	shalt  }
0x44: {  	_ =	shalt  }
0x45: {  	_ =	shalt  }
0x46: {  	_ =	shalt  }
0x47: {  	_ =	shalt  }
0x48: {  	_ =	shalt  }
0x49: {  	_ =	shalt  }
0x4a: {  	_ =	shalt  }
0x4b: {  	_ =	shalt  }
0x4c: {  	_ =	shalt  }
0x4d: {  	_ =	shalt  }
0x4e: {  	_ =	shalt  }
0x4f: {  	_ =	shalt  }
0x50: {  	_ =	shalt  }
0x51: {  	_ =	shalt  }
0x52: {  	_ =	shalt  }
0x53: {  	_ =	shalt  }
0x54: {  	_ =	shalt  }
0x55: {  	_ =	shalt  }
0x56: {  	_ =	shalt  }
0x57: {  	_ =	shalt  }
0x58: {  	_ =	shalt  }
0x59: {  	_ =	shalt  }
0x5a: {  	_ =	shalt  }
0x5b: {  	_ =	shalt  }
0x5c: {  	_ =	shalt  }
0x5d: {  	_ =	shalt  }
0x5e: {  	_ =	shalt  }
0x5f: {  	_ =	shalt  }
0x60: {  	_ =	shalt  }
0x61: {  	_ =	shalt  }
0x62: {  	_ =	shalt  }
0x63: {  	_ =	shalt  }
0x64: {  	_ =	shalt  }
0x65: {  	_ =	shalt  }
0x66: {  	_ =	shalt  }
0x67: {  	_ =	shalt  }
0x68: {  	_ =	shalt  }
0x69: {  	_ =	shalt  }
0x6a: {  	_ =	shalt  }
0x6b: {  	_ =	shalt  }
0x6c: {  	_ =	shalt  }
0x6d: {  	_ =	shalt  }
0x6e: {  	_ =	shalt  }
0x6f: {  	_ =	shalt  }
0x70: {  	_ =	shalt  }
0x71: {  	_ =	shalt  }
0x72: {  	_ =	shalt  }
0x73: {  	_ =	shalt  }
0x74: {  	_ =	shalt  }
0x75: {  	_ =	shalt  }
0x76: {  	_ =	shalt  }
0x77: {  	_ =	shalt  }
0x78: {  	_ =	shalt  }
0x79: {  	_ =	shalt  }
0x7a: {  	_ =	shalt  }
0x7b: {  	_ =	shalt  }
0x7c: {  	_ =	shalt  }
0x7d: {  	_ =	shalt  }
0x7e: {  	_ =	shalt  }
0x7f: {  	_ =	shalt  }
0x80: {  	_ =	shalt  }
0x81: {  	_ =	shalt  }
0x82: {  	_ =	shalt  }
0x83: {  	_ =	shalt  }
0x84: {  	_ =	shalt  }
0x85: {  	_ =	shalt  }
0x86: {  	_ =	shalt  }
0x87: {  	_ =	shalt  }
.Lfunc_end0:
.L_simem_size_0:
called_computation.1_lowered:
.L_overlay_start_0:
0x88: {  	s2 =	sld [smem:$0x3FD9]  }
0x89: {  	s3 =	sld [smem:$0x3FFE];
	_ =	sdelay $0x1  }
0x8a: {  	s1 =	srdreg.scid  }
0x8b: {  	s0 =	sand.u32 $0x1, s1  }
0x8c: {  	s17 =	sshll.u32 s0, $0xA;
	s2 =	sadd.s32 s3, s2  }
0x8d: {  	s2 =	sadd.s32 s2, s17  }
0x8e: {  	[smem:$0x3FC2] =	sst s2  }
0x8f: {  	_ = 	snop  }
0x90: {  	s2 =	sld [smem:$0x3FD0];
	(tm) =	ssettm $0x1  }
0x91: {  	s18 =	sld [smem:$0x3FFB];
	_ =	sdelay $0x3  }
0x92: {  	_ =	strace s18  }
0x93: {  	s3 =	sld [smem:$0x3FFC];
	_ =	sdelay $0x3  }
0x94: {  	_ =	strace s3  }
0x95: {  	s3 =	sld [smem:$0x3FFD];
	_ =	sdelay $0x3  }
0x96: {  	_ =	strace s3  }
0x97: {  	_ =	strace $0x8FFFFFFF  }
0x98: {  	s19 =	sld [smem:$0x3FDB];
	_ =	sdelay $0x1  }
0x99: {  	s4 =	simm.s32 $_scs_section_size  }
0x9a: {  	s5 =	simm.s32 $_size__tile_overlayer_lowered;
	s6 =	simm.s32 $_tile_overlayer_lowered  }
0x9b: {  	s22 =	simm.s32 $0x1BFF;
	s21 =	sshll.u32 s6, $0x1;
	s3 =	sadd.s32 s4, s19  }
0x9c: {  	s7 =	simm.s32 $0x0;
	s20 =	sshll.u32 s5, $0x1;
	s5 =	sadd.s32 s21, s3  }
0x9d: {  	[timem:s7], [sflag:s22] =	dma.local [hbm:s5], s20  }
0x9e: {  	_ =	swait.ge [sflag:s22], s20  }
0x9f: {  	s4 =	ssub.s32 $0x0, s20;
	[sflag:s22] =	ssyncset.done $0x0  }
0xa0: {  	[sflag:s22] =	ssyncadd.s32 s4;
	_ =	sdelay $0x1  }
0xa1: {  	s23 =	simm.s32 $0x1B8B  }
0xa2: {  	_ =	swait.ge [sflag:s23], $0x1  }
0xa3: {  	[sflag:s23] =	ssyncset.done $0x0  }
0xa4: {  	s25 =	simm.s32 $0x1B8E;
	s24 =	sld [smem:$0x3FFE];
	[sflag:s23] =	ssyncadd.s32 $0xFFFFFFFF  }
0xa5: {  	s26 =	simm.s32 $execute0_lowered;
	[smem:$0x3FD2] =	sst s25  }
0xa6: {  	s5 =	sshll.u32 s26, $0x1;
	_ =	strace $0x80000049;
	[dreg:$0x1] =	wrdreg $0xFFFFFFFF  }
0xa7: {  	s28 =	simm.s32 $_size_execute0_lowered;
	s3 =	sadd.s32 s3, s5;
	[dreg:$0x0] =	wrdreg $0x0  }
0xa8: {  	s5 =	sshll.u32 s28, $0x1;
	[dreg:$0x2] =	wrdreg s3  }
0xa9: {  	[dreg:$0x3] =	wrdreg s5  }
0xaa: {  	[dreg:$0x4] =	wrdreg $0xC0  }
0xab: {  	_ =	task [dreg:s7], $0x5FFFF  }
0xac: {  	[dreg:$0x1] =	wrdreg $0xFFFFFFFF  }
0xad: {  	[dreg:$0x0] =	wrdreg $0x60  }
0xae: {  	[dreg:$0x2] =	wrdreg s2  }
0xaf: {  	[dreg:$0x3] =	wrdreg s24  }
0xb0: {  	[dreg:$0x4] =	wrdreg $0xB7800  }
0xb1: {  	[dreg:$0x5] =	wrdreg $0x9  }
0xb2: {  	_ =	task.clear_ibuf [dreg:s7], $0x6FFFF;
	_ =	strace $0x90000049  }
0xb3: {  	s29 =	simm.s32 $0x9;
	_ =	strace $0x8000004B  }
0xb4: {  	_ =	swait.ge [sflag:s29], $0x1  }
0xb5: {  	[sflag:s29] =	ssyncadd.s32 $0xFFFFFFFF  }
0xb6: {  	_ =	strace $0x9000004B  }
0xb7: {  	_ =	sfence  }
0xb8: {  	s30 =	sld [smem:$0x0];
	_ =	sdelay $0x2  }
0xb9: {  	s31 =	sshll.u32 s1, $0xD;
	s1 =	sshrl.u32 s1, $0x2  }
0xba: {  	s3 =	sand.u32 $0x4000, s31;
	s1 =	sadd.s32 s1, s30  }
0xbb: {  	s0 =	sor.u32 s3, s0;
	s1 =	sshll.u32 s1, $0x11  }
0xbc: {  	s0 =	sor.u32 s1, s0  }
0xbd: {  	s0 =	sadd.s32 $0x8F2B, s0  }
0xbe: {  	[sflag:s0] =	ssyncadd.remote.s32 $0x1  }
0xbf: {  	_ =	sfence.sel $0xFFFF  }
0xc0: {  	[dreg:$0x0] =	wrdreg $0xFFFFFFFF;
	(pc) =	sbr.abs _section_cstart, $3  }
0xc1: {  	[dreg:$0x1] =	wrdreg $0xFFFFFFFF  }
0xc2: {  	_ =	task.clear_ibuf [dreg:s7], $0x2FFFF;
	_ =	strace $0x9FFFFFFF  }
0xc3: {  	(tm) =	ssettm $0x7FFFFFFF  }
tec
execute0_lowered:
.L_overlay_start_1:
0x0: {  	(tag) =	ssettag $0x1  }
0x1: {  	s7 =	stileid.u32  }
0x2: {  	s0 =	srdreg.scid;
	s8 =	smul.u32 $0xA000, s7  }
0x3: {  	s1 =	rddreg [dreg:$0x0];
	s2 =	sand.u32 $0x1, s0;
	s23 =	smul.u32 $0x2800, s7  }
0x4: {  	s25 =	rddreg [dreg:$0x1];
	s9 =	sor.u32 $0x10, s7;
	s12 =	smul.u32 $0x138800, s2  }
0x5: {  	s3 =	rddreg [dreg:$0x2];
	s11 =	sor.u32 $0x20, s7;
	s10 =	smul.u32 $0xA000, s9  }
0x6: {  	s6 =	simm.s32 $0x0;
	s14 =	sor.u32 $0x30, s7;
	s13 =	smul.u32 $0xA000, s11  }
0x7: {  	s28 =	simm.s32 $0x6780;
	s16 =	sor.u32 $0x40, s7;
	s15 =	smul.u32 $0xA000, s14  }
0x8: {  	s29 =	simm.s32 $0x5;
	s18 =	sor.u32 $0x50, s7;
	s17 =	smul.u32 $0xA000, s16  }
0x9: {  	s30 =	simm.s32 $0x50;
	s31 =	simm.s32 $0x8F80;
	s19 =	smul.u32 $0xA000, s18  }
0xa: {  	[smem:$0x7FF] =	sst s6;
	s0 =	sadd.s32 $0x25E00, s25;
	s21 =	smul.u32 $0x2800, s9  }
0xb: {  	s20 =	sor.u32 $0x60, s7;
	s24 =	sor.u32 $0x70, s7;
	s6 =	smul.u32 $0x2800, s11  }
0xc: {  	s4 =	sshll.u32 s2, $0x4;
	_ =	strace $0x8000004A;
	s14 =	smul.u32 $0x2800, s14  }
0xd: {  	s2 =	ssub.s32 $0x2, s2;
	s18 =	smul.u32 $0x2800, s18;
	p0 =	sgt.u32 s24, $0x7C  }
0xe: {  	s4 =	sor.u32 s7, s4;
	s26 =	sshrl.u32 s2, $0x1;
	s7 =	smul.u32 $0xA000, s24  }
0xf: {  	s22 =	sshrl.u32 s8, $0x2;
	s5 =	smul.u32 $0x4E2, s4;
	s4 =	sshll.u32 s4, $0xB  }
0x10: {  	s2 =	ssub.s32 s2, s26;
	s8 =	sadd.s32 s22, s3;
	s26 =	sshrl.u32 s13, $0x2  }
0x11: {  	s15 =	sshrl.u32 s15, $0x2;
	s4 =	sadd.s32 s4, s25;
	s2 =	smax.u32 s2, $0x1  }
0x12: {  	s11 =	sadd.s32 s15, s3;
	s5 =	sadd.s32 s5, s25;
	s4 =	sadd.s32 $0x15E00, s4  }
0x13: {  	[dreg:$0x6] =	wrdreg s2;
	s2 =	sshrl.u32 s17, $0x2;
	s17 =	smul.u32 $0x2800, s16  }
0x14: {  	s25 =	sshrl.u32 s10, $0x2;
	s16 =	sshrl.u32 s19, $0x2;
	s19 =	smul.u32 $0x2800, s20  }
0x15: {  	s10 =	sadd.s32 s26, s3;
	s26 =	smul.u32 $0x2800, s24;
	s24 =	simm.s32 $0x0  }
0x16: {  	s5 =	sadd.s32 $0xC000, s5;
	[dreg:$0x5] =	wrdreg s4;
	s9 =	sadd.s32 s25, s3  }
0x17: {  	s13 =	sadd.s32 s16, s3;
	[dreg:$0x4] =	wrdreg s5;
	s5 =	smul.u32 $0xA000, s20  }
0x18: {  	s20 =	sadd.s32 s12, s21;
	s21 =	sadd.s32 s12, s6;
	s6 =	sadd.s32 s12, s14  }
0x19: {  	s22 =	sadd.s32 s12, s17;
	s25 =	sadd.s32 s12, s19;
	s17 =	sshrl.u32 s7, $0x2  }
0x1a: {  	s26 =	sadd.s32 s12, s26;
	s19 =	sshrl.u32 s20, $0x3;
	s15 =	sadd.s32 s17, s3  }
0x1b: {  	s20 =	sshrl.u32 s21, $0x3;
	s21 =	sshrl.u32 s6, $0x3;
	s22 =	sshrl.u32 s22, $0x3  }
0x1c: {  	s25 =	sshrl.u32 s25, $0x3;
	s26 =	sshrl.u32 s26, $0x3;
	s4 =	sshrl.u32 s5, $0x2  }
0x1d: {  	s5 =	sadd.s32 s12, s23;
	s23 =	sadd.s32 s12, s18;
	s12 =	sadd.s32 s2, s3  }
0x1e: {  	s17 =	sadd.s32 s0, s19;
	s19 =	sadd.s32 s0, s21;
	s2 =	simm.s32 $0x3  }
0x1f: {  	s14 =	sadd.s32 s4, s3;
	s18 =	sshrl.u32 s5, $0x3;
	s23 =	sshrl.u32 s23, $0x3  }
0x20: {  	s16 =	sadd.s32 s0, s18;
	s18 =	sadd.s32 s0, s20;
	s20 =	sadd.s32 s0, s22  }
0x21: {  	s21 =	sadd.s32 s0, s23;
	s22 =	sadd.s32 s0, s25;
	s23 =	sadd.s32 s0, s26  }
0x22: {  	v0 =	vimm.f32 $0.0e+00;
	s25 =	simm.s32 $0x1;
	s26 =	simm.s32 $0x2;
	s0 =	simm.s32 $0x4  }
.LBB2_1:
0x23: {  	s4 =	simm.s32 $0x0;
	s5 =	rddreg [dreg:$0x4]  }
0x24: {  	[tilespmem:s4], [sflag:$0x1] =	stream.linear.gather [hbm4b:s5+s4], $0x2710, $0x38;
	[tilespmem:$0x1F000] =	vst v63  }
0x25: {  	s7 =	rddreg [dreg:$0x5];
	s6 =	simm.s32 $0x2780  }
0x26: {  	[tilespmem:s6], [sflag:$0x2] =	stream.linear.gather [hbm4b:s7+s4], $0x3E80, $0x38;
	[tilespmem:$0x1F000] =	vst v63  }
0x27: {  	s5 =	simm.s32 $0x3C0;
	s4 =	simm.s32 $0x70  }
.LBB2_2:
0x28: {  	p1 =	sne.s32 s5, $0x9FC0;
	[tilespmem:s4+$0x6780] =	vst v0  }
0x29: {  	[tilespmem:s4+$0x6710] =	vst v0  }
0x2a: {  	[tilespmem:s4+$0x6720] =	vst v0  }
.Ltmp0:
0x2b: {  	[tilespmem:s4+$0x6730] =	vst v0;
	(pc) =	sbr.rel @p1 .LBB2_2-.Ltmp0, $4  }
0x2c: {  	[tilespmem:s4+$0x6740] =	vst v0  }
0x2d: {  	[tilespmem:s4+$0x6750] =	vst v0  }
0x2e: {  	[tilespmem:s4+$0x6760] =	vst v0  }
0x2f: {  	[tilespmem:s4+$0x6770] =	vst v0;
	s4 =	sshra.s32 s5, $0x2;
	s5 =	sadd.s32 $0x200, s5  }
0x30: {  	[tilespmem:s4+$0x6780] =	vst v0  }
0x31: {  	[tilespmem:s4+$0x6710] =	vst v0  }
0x32: {  	[tilespmem:s4+$0x6720] =	vst v0  }
0x33: {  	[tilespmem:s4+$0x6730] =	vst v0  }
0x34: {  	[tilespmem:s4+$0x6740] =	vst v0  }
0x35: {  	[tilespmem:s4+$0x6750] =	vst v0  }
0x36: {  	[tilespmem:s4+$0x6760] =	vst v0  }
0x37: {  	[tilespmem:s4+$0x6770] =	vst v0  }
0x38: {  	_ =	swait.ge [sflag:s25], $0x2710  }
0x39: {  	[sflag:s25] =	ssyncset.done $0x0  }
0x3a: {  	[sflag:s25] =	ssyncadd.s32 $0xFFFFD8F0  }
0x3b: {  	_ =	swait.ge [sflag:s26], $0x3E80  }
0x3c: {  	[sflag:s26] =	ssyncset.done $0x0  }
0x3d: {  	[sflag:s26] =	ssyncadd.s32 $0xFFFFC180  }
0x3e: {  	[spmem:s8] =	stream.linear.scatter [tilespmem:s28], [sflag:$0x5], $0x2800, $0x38;
	[tilespmem:$0x1F000] =	vst v63  }
0x3f: {  	_ =	swait.ge [sflag:s29], $0x2800  }
0x40: {  	[sflag:s29] =	ssyncset.done $0x0  }
0x41: {  	[sflag:s29] =	ssyncadd.s32 $0xFFFFD800  }
0x42: {  	[spmem:s9] =	stream.linear.scatter [tilespmem:s28], [sflag:$0x5], $0x2800, $0x38;
	[tilespmem:$0x1F000] =	vst v63  }
0x43: {  	_ =	swait.ge [sflag:s29], $0x2800  }
0x44: {  	[sflag:s29] =	ssyncset.done $0x0  }
0x45: {  	[sflag:s29] =	ssyncadd.s32 $0xFFFFD800  }
0x46: {  	[spmem:s10] =	stream.linear.scatter [tilespmem:s28], [sflag:$0x5], $0x2800, $0x38;
	[tilespmem:$0x1F000] =	vst v63  }
0x47: {  	_ =	swait.ge [sflag:s29], $0x2800  }
0x48: {  	[sflag:s29] =	ssyncset.done $0x0  }
0x49: {  	[sflag:s29] =	ssyncadd.s32 $0xFFFFD800  }
0x4a: {  	[spmem:s11] =	stream.linear.scatter [tilespmem:s28], [sflag:$0x5], $0x2800, $0x38;
	[tilespmem:$0x1F000] =	vst v63  }
0x4b: {  	_ =	swait.ge [sflag:s29], $0x2800  }
0x4c: {  	[sflag:s29] =	ssyncset.done $0x0  }
0x4d: {  	[sflag:s29] =	ssyncadd.s32 $0xFFFFD800  }
0x4e: {  	[spmem:s12] =	stream.linear.scatter [tilespmem:s28], [sflag:$0x5], $0x2800, $0x38;
	[tilespmem:$0x1F000] =	vst v63  }
0x4f: {  	_ =	swait.ge [sflag:s29], $0x2800  }
0x50: {  	[sflag:s29] =	ssyncset.done $0x0  }
0x51: {  	[sflag:s29] =	ssyncadd.s32 $0xFFFFD800  }
0x52: {  	[spmem:s13] =	stream.linear.scatter [tilespmem:s28], [sflag:$0x5], $0x2800, $0x38;
	[tilespmem:$0x1F000] =	vst v63  }
0x53: {  	_ =	swait.ge [sflag:s29], $0x2800  }
0x54: {  	[sflag:s29] =	ssyncset.done $0x0  }
0x55: {  	[sflag:s29] =	ssyncadd.s32 $0xFFFFD800  }
0x56: {  	[spmem:s14] =	stream.linear.scatter [tilespmem:s28], [sflag:$0x5], $0x2800, $0x38;
	[tilespmem:$0x1F000] =	vst v63  }
0x57: {  	_ =	swait.ge [sflag:s29], $0x2800  }
0x58: {  	[sflag:s29] =	ssyncset.done $0x0  }
0x59: {  	s4 =	simm.s32 @!p0 $0x6780;
	[sflag:s29] =	ssyncadd.s32 $0xFFFFD800  }
0x5a: {  	[spmem:s15] =	stream.linear.scatter @!p0 [tilespmem:s4], [sflag:$0x5], $0x2800, $0x38;
	[tilespmem:$0x1F000] =	vst v63  }
0x5b: {  	s4 =	simm.s32 @!p0 $0x5  }
0x5c: {  	_ =	swait.ge @!p0 [sflag:s4], $0x2800  }
0x5d: {  	[sflag:s4] =	ssyncset.done @!p0 $0x0  }
0x5e: {  	[sflag:s4] =	ssyncadd.s32 @!p0 $0xFFFFD800  }
0x5f: {  	s5 =	simm.s32 $0x0;
	[bflag:$0x0] =	sbarrier.arrive $0xFFFF  }
0x60: {  	[tilespmem:s28], [sflag:$0x1] =	stream.indirect.gather [hbm4b:s1+s30], $0x80, s5, s30, $0xb8;
	[tilespmem:$0x1F000] =	vst v63  }
0x61: {  	_ =	swait.ge [sflag:s25], $0x2800  }
0x62: {  	[sflag:s25] =	ssyncset.done $0x0  }
0x63: {  	s6 =	simm.s32 $0x2780;
	[sflag:s25] =	ssyncadd.s32 $0xFFFFD800  }
0x64: {  	[spmem:s3] =	stream.indirect.scatter.add.f32 [tilespmem:s28], [sflag:$0x3], $0x80, s6, s30, $0xb8;
	[tilespmem:$0x1F000] =	vst v63  }
0x65: {  	s7 =	simm.s32 $0x50  }
0x66: {  	[tilespmem:s31], [sflag:$0x2] =	stream.indirect.gather [hbm4b:s1+s30], $0x80, s7, s30, $0xb8;
	[tilespmem:$0x1F000] =	vst v63  }
0x67: {  	_ =	swait.ge [sflag:s2], $0x2800  }
0x68: {  	[sflag:s2] =	ssyncset.done $0x0  }
0x69: {  	s4 =	simm.s32 $0xA0;
	[sflag:s2] =	ssyncadd.s32 $0xFFFFD800  }
0x6a: {  	[tilespmem:s28], [sflag:$0x1] =	stream.indirect.gather [hbm4b:s1+s30], $0x80, s4, s30, $0xb8;
	[tilespmem:$0x1F000] =	vst v63  }
0x6b: {  	_ =	swait.ge [sflag:s26], $0x2800  }
0x6c: {  	[sflag:s26] =	ssyncset.done $0x0  }
0x6d: {  	s5 =	simm.s32 $0x2800;
	[sflag:s26] =	ssyncadd.s32 $0xFFFFD800  }
0x6e: {  	[spmem:s3] =	stream.indirect.scatter.add.f32 [tilespmem:s31], [sflag:$0x4], $0x80, s5, s30, $0xb8;
	[tilespmem:$0x1F000] =	vst v63  }
0x6f: {  	_ =	swait.ge [sflag:s0], $0x2800  }
0x70: {  	s5 =	simm.s32 $0x400;
	[sflag:s0] =	ssyncset.done $0x0  }
.LBB2_4:
0x71: {  	p1 =	sne.s32 s5, $0xF400;
	[sflag:s0] =	ssyncadd.s32 $0xFFFFD800;
	s4 =	sadd.s32 $0xA0, s4  }
0x72: {  	s6 =	smov.u32 s5;
	s5 =	sadd.s32 $0x400, s5;
	_ =	swait.ge [sflag:s25], $0x2800  }
0x73: {  	s6 =	sshra.s32 s6, $0x2;
	[sflag:s25] =	ssyncset.done $0x0  }
0x74: {  	s7 =	sadd.s32 $0x2780, s6;
	[sflag:s25] =	ssyncadd.s32 $0xFFFFD800  }
0x75: {  	[spmem:s3] =	stream.indirect.scatter.add.f32 [tilespmem:s28], [sflag:$0x3], $0x80, s7, s30, $0xb8;
	[tilespmem:$0x1F000] =	vst v63  }
0x76: {  	s7 =	sadd.s32 $0xFFFFFFB0, s4  }
0x77: {  	[tilespmem:s31], [sflag:$0x2] =	stream.indirect.gather [hbm4b:s1+s30], $0x80, s7, s30, $0xb8;
	[tilespmem:$0x1F000] =	vst v63  }
0x78: {  	_ =	swait.ge [sflag:s2], $0x2800  }
0x79: {  	[sflag:s2] =	ssyncset.done $0x0  }
0x7a: {  	[sflag:s2] =	ssyncadd.s32 $0xFFFFD800  }
0x7b: {  	[tilespmem:s28], [sflag:$0x1] =	stream.indirect.gather [hbm4b:s1+s30], $0x80, s4, s30, $0xb8;
	[tilespmem:$0x1F000] =	vst v63  }
0x7c: {  	_ =	swait.ge [sflag:s26], $0x2800  }
.Ltmp1:
0x7d: {  	[sflag:s26] =	ssyncset.done $0x0;
	(pc) =	sbr.rel @p1 .LBB2_4-.Ltmp1, $4  }
0x7e: {  	s6 =	sadd.s32 $0x2800, s6;
	[sflag:s26] =	ssyncadd.s32 $0xFFFFD800  }
0x7f: {  	[spmem:s3] =	stream.indirect.scatter.add.f32 [tilespmem:s31], [sflag:$0x4], $0x80, s6, s30, $0xb8;
	[tilespmem:$0x1F000] =	vst v63  }
0x80: {  	_ =	swait.ge [sflag:s0], $0x2800  }
0x81: {  	[sflag:s0] =	ssyncset.done $0x0  }
0x82: {  	[sflag:s0] =	ssyncadd.s32 $0xFFFFD800  }
0x83: {  	_ =	swait.ge [sflag:s25], $0x2800  }
0x84: {  	[sflag:s25] =	ssyncset.done $0x0  }
0x85: {  	s4 =	simm.s32 $0x6580;
	[sflag:s25] =	ssyncadd.s32 $0xFFFFD800  }
0x86: {  	[spmem:s3] =	stream.indirect.scatter.add.f32 [tilespmem:s28], [sflag:$0x5], $0x80, s4, s30, $0xb8;
	[tilespmem:$0x1F000] =	vst v63  }
0x87: {  	_ =	swait.ge [sflag:s29], $0x2800  }
0x88: {  	s6 =	stileid.u32;
	[sflag:s29] =	ssyncset.done $0x0  }
0x89: {  	s4 =	sshll.u32 s6, $0x6;
	[sflag:s29] =	ssyncadd.s32 $0xFFFFD800  }
0x8a: {  	s5 =	sshrl.u32 s8, $0x3;
	s4 =	sor.u32 $0x1C05, s4;
	[bflag:$0x0] =	sbarrier.arrive $0xFFFF  }
0x8b: {  	[hbm:s16], [sflag:s4] =	dma.local [spmem:s5], $0x500  }
0x8c: {  	_ =	swait.ge [sflag:s29], $0x500  }
0x8d: {  	[sflag:s29] =	ssyncset.done $0x0  }
0x8e: {  	s7 =	sshrl.u32 s9, $0x3;
	[sflag:s29] =	ssyncadd.s32 $0xFFFFFB00  }
0x8f: {  	[hbm:s17], [sflag:s4] =	dma.local [spmem:s7], $0x500  }
0x90: {  	_ =	swait.ge [sflag:s29], $0x500  }
0x91: {  	[sflag:s29] =	ssyncset.done $0x0  }
0x92: {  	s6 =	sshrl.u32 s10, $0x3;
	[sflag:s29] =	ssyncadd.s32 $0xFFFFFB00  }
0x93: {  	[hbm:s18], [sflag:s4] =	dma.local [spmem:s6], $0x500  }
0x94: {  	_ =	swait.ge [sflag:s29], $0x500  }
0x95: {  	[sflag:s29] =	ssyncset.done $0x0  }
0x96: {  	s7 =	sshrl.u32 s11, $0x3;
	[sflag:s29] =	ssyncadd.s32 $0xFFFFFB00  }
0x97: {  	[hbm:s19], [sflag:s4] =	dma.local [spmem:s7], $0x500  }
0x98: {  	_ =	swait.ge [sflag:s29], $0x500  }
0x99: {  	[sflag:s29] =	ssyncset.done $0x0  }
0x9a: {  	s6 =	sshrl.u32 s12, $0x3;
	[sflag:s29] =	ssyncadd.s32 $0xFFFFFB00  }
0x9b: {  	[hbm:s20], [sflag:s4] =	dma.local [spmem:s6], $0x500  }
0x9c: {  	_ =	swait.ge [sflag:s29], $0x500  }
0x9d: {  	[sflag:s29] =	ssyncset.done $0x0  }
0x9e: {  	s7 =	sshrl.u32 s13, $0x3;
	[sflag:s29] =	ssyncadd.s32 $0xFFFFFB00  }
0x9f: {  	[hbm:s21], [sflag:s4] =	dma.local [spmem:s7], $0x500  }
0xa0: {  	_ =	swait.ge [sflag:s29], $0x500  }
0xa1: {  	[sflag:s29] =	ssyncset.done $0x0  }
0xa2: {  	s6 =	sshrl.u32 s14, $0x3;
	[sflag:s29] =	ssyncadd.s32 $0xFFFFFB00  }
0xa3: {  	[hbm:s22], [sflag:s4] =	dma.local [spmem:s6], $0x500  }
0xa4: {  	_ =	swait.ge [sflag:s29], $0x500  }
0xa5: {  	[sflag:s29] =	ssyncset.done $0x0  }
0xa6: {  	s5 =	sshrl.u32 @!p0 s15, $0x3;
	[sflag:s29] =	ssyncadd.s32 $0xFFFFFB00  }
0xa7: {  	[hbm:s23], [sflag:s4] =	dma.local @!p0 [spmem:s5], $0x500  }
0xa8: {  	s4 =	simm.s32 @!p0 $0x5  }
0xa9: {  	_ =	swait.ge @!p0 [sflag:s4], $0x500  }
0xaa: {  	s24 =	sadd.s32 $0x1, s24;
	s7 =	rddreg [dreg:$0x6]  }
0xab: {  	p1 =	sne.s32 s24, s7  }
.Ltmp2:
0xac: {  	_ = 	snop;
	(pc) =	sbr.rel @p1 .LBB2_1-.Ltmp2, $3  }
0xad: {  	_ =	sdelay $0x1  }
0xae: {  	[sflag:s4] =	ssyncset.done @!p0 $0x0  }
0xaf: {  	[sflag:s4] =	ssyncadd.s32 @!p0 $0xFFFFFB00  }
0xb0: {  	_ =	sfence.sel $0x180000  }
0xb1: {  	[bflag:$0x0] =	sbarrier.arrive $0xFFFF  }
0xb2: {  	_ =	strace $0x9000004A  }
0xb3: {  	s0 =	stileid.u32;
	[bflag:$0x2] =	sbarrier.arrive $0xFFFF  }
0xb4: {  	p0 =	sne.s32 s0, $0x0;
	s0 =	rddreg [dreg:$0x3]  }
0xb5: {  	s0 =	sadd.s32 @!p0 $0x100000, s0  }
0xb6: {  	[sflag:s0] =	ssyncadd.tile.s32 @!p0 $0x1;
	_ =	shalt  }
.Lfunc_end2:
_tile_overlayer_lowered:
.L_overlay_start_2:
0xb7: {  	(tag) =	ssettag $0x2  }
0xb8: {  	s0 =	rddreg [dreg:$0x0];
	s2 =	stileid.u32  }
0xb9: {  	s1 =	rddreg [dreg:$0x1];
	p0 =	sne.s32 s2, $0x0  }
0xba: {  	s3 =	rddreg [dreg:$0x2];
	[bflag:$0x3] =	sbarrier.arrive $0xFFFF;
	s2 =	simm.s32 @!p0 $0x1C05  }
0xbb: {  	[timem:s3], [sflag:s2] =	dma.local @!p0 [hbm:s0], s1  }
0xbc: {  	s0 =	simm.s32 @!p0 $0x5  }
0xbd: {  	_ =	swait.ge @!p0 [sflag:s0], s1  }
0xbe: {  	s1 =	ssub.s32 @!p0 $0x0, s1;
	[sflag:s0] =	ssyncset.done @!p0 $0x0  }
0xbf: {  	[sflag:s0] =	ssyncadd.s32 @!p0 s1  }
0xc0: {  	[bflag:$0x3] =	sbarrier.arrive $0xFFFF  }
0xc1: {  	_ =	shalt  }

// kernel: kernel.7.cloned.1.call-start
scs
__scs_entry_jumppad:
0x0: {  	(pc) =	sbr.rel $0x88, $3  }
0x1: {  	(tag) =	ssettag $0x0;
	lr =	simm.s32 $0x1  }
0x2: {  	[smem:$0x3F9B] =	sst lr;
	_ =	strace $0xD0000000  }
0x3: {  	_ = 	snop  }
0x4: {  	_ = 	snop  }
0x5: {  	_ = 	snop  }
0x6: {  	_ = 	snop  }
0x7: {  	_ = 	snop  }
__scs_overlays_trampoline_lowered:
0x8: {  	[smem:$0x3FAA] =	sst s0  }
0x9: {  	[smem:$0x3FAB] =	sst s1  }
0xa: {  	[smem:$0x3FAC] =	sst s2  }
0xb: {  	[smem:$0x3FAD] =	sst s3  }
0xc: {  	[smem:$0x3FAE] =	sst s4  }
0xd: {  	[smem:$0x3FAF] =	sst s5  }
0xe: {  	[smem:$0x3FB0] =	sst s6  }
0xf: {  	[smem:$0x3FB1] =	sst s7  }
0x10: {  	[smem:$0x3FB2] =	sst s8  }
0x11: {  	[smem:$0x3FB3] =	sst s9;
	s0 =	simm.s32 @!p0 $0x0  }
0x12: {  	s1 =	sld [smem:$0x3F99];
	s0 =	simm.s32 @p0 $0x1  }
0x13: {  	[smem:$0x3FB4] =	sst s0;
	s0 =	simm.s32 @!p1 $0x0  }
0x14: {  	s2 =	sld [smem:$0x3F98];
	s0 =	simm.s32 @p1 $0x1  }
0x15: {  	[smem:$0x3FB5] =	sst s0;
	s0 =	simm.s32 @!p2 $0x0  }
0x16: {  	s3 =	sld [smem:$0x3FDB];
	s0 =	simm.s32 @p2 $0x1  }
0x17: {  	s4 =	simm.s32 $0x1BF5;
	[smem:$0x3FB7] =	sst s0  }
0x18: {  	s0 =	sld [smem:$0x3F9A];
	_ =	swait.ge [sflag:s4], $0x0  }
0x19: {  	s7 =	sld [smem:$0x3F9B]  }
0x1a: {  	s8 =	sadd.s32 $0xFFFFE003, lr  }
0x1b: {  	s9 =	sadd.s32 $0xFFFFFEF7, lr;
	s5 =	simm.s32 $0xFFFFFFFF;
	p2 =	slt.u32 s8, $0xFFFFF086  }
0x1c: {  	p1 =	slt.u32 s9, $0xF7A;
	s5 =	simm.s32 @!p2 $0x0  }
0x1d: {  	s5 =	simm.s32 @p1 $0x1;
	p0 =	seq.s32 s7, s2  }
0x1e: {  	s7 =	smul.u32 @!p0 $0xF7A, s2;
	p2 =	seq.s32 @!p0 s5, $0x0  }
0x1f: {  	s9 =	smul.u32 $0xF7A, s1;
	s8 =	simm.s32 @!p0 $0x1BF5;
	p2 =	por !p2, p0  }
0x20: {  	[sflag:s8] =	ssyncset.s32 @!p0 $0xFFFFF086;
	s6 =	sadd.s32 @!p0 s3, s7;
	s7 =	simm.s32 @!p0 $0x108  }
0x21: {  	s3 =	sadd.s32 s3, s9;
	s6 =	sadd.s32 @!p0 $0x88, s6;
	s7 =	simm.s32 @p2 $0x1082  }
0x22: {  	[simem:s7], [sflag:s8] =	dma.local @!p0 [hbm:s6], $0xF7A  }
0x23: {  	s9 =	sor.u32 $0xD0000000, s2;
	s6 =	simm.s32 $0x108;
	_ =	swait.ge @!p0 [sflag:s8], $0x0  }
0x24: {  	s3 =	sadd.s32 $0x88, s3;
	s6 =	simm.s32 @!p1 $0x1082;
	[sflag:s4] =	ssyncset.s32 $0xFFFFF086  }
0x25: {  	[simem:s6], [sflag:s4] =	dma.local [hbm:s3], $0xF7A  }
0x26: {  	[smem:$0x3F9B] =	sst s1;
	(tag) =	ssettag s2;
	_ =	strace s9  }
0x27: {  	s1 =	sld [smem:$0x3FAB]  }
0x28: {  	s2 =	sld [smem:$0x3FAC]  }
0x29: {  	s4 =	sld [smem:$0x3FAE]  }
0x2a: {  	p0 =	seq.s32 s5, $0x0;
	s5 =	sld [smem:$0x3FAF]  }
0x2b: {  	s6 =	sld [smem:$0x3FB0]  }
0x2c: {  	s7 =	sld [smem:$0x3FB1]  }
0x2d: {  	s3 =	simm.s32 $0x108;
	s8 =	sld [smem:$0x3FB2]  }
0x2e: {  	s3 =	simm.s32 @!p0 $0x1082;
	s9 =	sld [smem:$0x3FB3]  }
0x2f: {  	lr =	sadd.s32 s0, s3;
	s0 =	sld [smem:$0x3FAA]  }
0x30: {  	s3 =	sld [smem:$0x3FAD]  }
0x31: {  	[smem:$0x3FB6] =	sst s10  }
0x32: {  	s10 =	sld [smem:$0x3FB4];
	_ =	sdelay $0x3  }
0x33: {  	p0 =	seq.s32 s10, $0x1;
	s10 =	sld [smem:$0x3FB6];
	_ =	sdelay $0x3  }
0x34: {  	[smem:$0x3FB6] =	sst s10  }
0x35: {  	s10 =	sld [smem:$0x3FB5];
	_ =	sdelay $0x3  }
0x36: {  	p1 =	seq.s32 s10, $0x1;
	s10 =	sld [smem:$0x3FB6];
	_ =	sdelay $0x3  }
0x37: {  	[smem:$0x3FB6] =	sst s10  }
0x38: {  	s10 =	sld [smem:$0x3FB7]  }
0x39: {  	_ = 	snop;
	(pc) =	sbr.ind lr, $3  }
0x3a: {  	_ = 	snop  }
0x3b: {  	_ = 	snop  }
0x3c: {  	p2 =	seq.s32 s10, $0x1;
	s10 =	sld [smem:$0x3FB6]  }
0x3d: {  	_ =	shalt  }
0x3e: {  	_ =	shalt  }
0x3f: {  	_ =	shalt  }
0x40: {  	_ =	shalt  }
0x41: {  	_ =	shalt  }
0x42: {  	_ =	shalt  }
0x43: {  	_ =	shalt  }
0x44: {  	_ =	shalt  }
0x45: {  	_ =	shalt  }
0x46: {  	_ =	shalt  }
0x47: {  	_ =	shalt  }
0x48: {  	_ =	shalt  }
0x49: {  	_ =	shalt  }
0x4a: {  	_ =	shalt  }
0x4b: {  	_ =	shalt  }
0x4c: {  	_ =	shalt  }
0x4d: {  	_ =	shalt  }
0x4e: {  	_ =	shalt  }
0x4f: {  	_ =	shalt  }
0x50: {  	_ =	shalt  }
0x51: {  	_ =	shalt  }
0x52: {  	_ =	shalt  }
0x53: {  	_ =	shalt  }
0x54: {  	_ =	shalt  }
0x55: {  	_ =	shalt  }
0x56: {  	_ =	shalt  }
0x57: {  	_ =	shalt  }
0x58: {  	_ =	shalt  }
0x59: {  	_ =	shalt  }
0x5a: {  	_ =	shalt  }
0x5b: {  	_ =	shalt  }
0x5c: {  	_ =	shalt  }
0x5d: {  	_ =	shalt  }
0x5e: {  	_ =	shalt  }
0x5f: {  	_ =	shalt  }
0x60: {  	_ =	shalt  }
0x61: {  	_ =	shalt  }
0x62: {  	_ =	shalt  }
0x63: {  	_ =	shalt  }
0x64: {  	_ =	shalt  }
0x65: {  	_ =	shalt  }
0x66: {  	_ =	shalt  }
0x67: {  	_ =	shalt  }
0x68: {  	_ =	shalt  }
0x69: {  	_ =	shalt  }
0x6a: {  	_ =	shalt  }
0x6b: {  	_ =	shalt  }
0x6c: {  	_ =	shalt  }
0x6d: {  	_ =	shalt  }
0x6e: {  	_ =	shalt  }
0x6f: {  	_ =	shalt  }
0x70: {  	_ =	shalt  }
0x71: {  	_ =	shalt  }
0x72: {  	_ =	shalt  }
0x73: {  	_ =	shalt  }
0x74: {  	_ =	shalt  }
0x75: {  	_ =	shalt  }
0x76: {  	_ =	shalt  }
0x77: {  	_ =	shalt  }
0x78: {  	_ =	shalt  }
0x79: {  	_ =	shalt  }
0x7a: {  	_ =	shalt  }
0x7b: {  	_ =	shalt  }
0x7c: {  	_ =	shalt  }
0x7d: {  	_ =	shalt  }
0x7e: {  	_ =	shalt  }
0x7f: {  	_ =	shalt  }
0x80: {  	_ =	shalt  }
0x81: {  	_ =	shalt  }
0x82: {  	_ =	shalt  }
0x83: {  	_ =	shalt  }
0x84: {  	_ =	shalt  }
0x85: {  	_ =	shalt  }
0x86: {  	_ =	shalt  }
0x87: {  	_ =	shalt  }
.Lfunc_end0:
.L_simem_size_0:
called_computation_lowered:
.L_overlay_start_0:
0x88: {  	s2 =	sld [smem:$0x3FD9]  }
0x89: {  	s3 =	sld [smem:$0x3FFE];
	_ =	sdelay $0x1  }
0x8a: {  	s1 =	srdreg.scid  }
0x8b: {  	s0 =	sand.u32 $0x1, s1  }
0x8c: {  	s17 =	sshll.u32 s0, $0xA;
	s2 =	sadd.s32 s3, s2  }
0x8d: {  	s2 =	sadd.s32 s2, s17  }
0x8e: {  	[smem:$0x3FC2] =	sst s2  }
0x8f: {  	_ = 	snop  }
0x90: {  	s2 =	sld [smem:$0x3FD0];
	(tm) =	ssettm $0x1  }
0x91: {  	s18 =	sld [smem:$0x3FFB];
	_ =	sdelay $0x3  }
0x92: {  	_ =	strace s18  }
0x93: {  	s3 =	sld [smem:$0x3FFC];
	_ =	sdelay $0x3  }
0x94: {  	_ =	strace s3  }
0x95: {  	s3 =	sld [smem:$0x3FFD];
	_ =	sdelay $0x3  }
0x96: {  	_ =	strace s3  }
0x97: {  	_ =	strace $0x8FFFFFFF  }
0x98: {  	s19 =	sld [smem:$0x3FDB];
	_ =	sdelay $0x1  }
0x99: {  	s4 =	simm.s32 $_scs_section_size  }
0x9a: {  	s5 =	simm.s32 $_size__tile_overlayer_lowered;
	s6 =	simm.s32 $_tile_overlayer_lowered  }
0x9b: {  	s22 =	simm.s32 $0x1BFF;
	s21 =	sshll.u32 s6, $0x1;
	s3 =	sadd.s32 s4, s19  }
0x9c: {  	s7 =	simm.s32 $0x0;
	s20 =	sshll.u32 s5, $0x1;
	s5 =	sadd.s32 s21, s3  }
0x9d: {  	[timem:s7], [sflag:s22] =	dma.local [hbm:s5], s20  }
0x9e: {  	_ =	swait.ge [sflag:s22], s20  }
0x9f: {  	s4 =	ssub.s32 $0x0, s20;
	[sflag:s22] =	ssyncset.done $0x0  }
0xa0: {  	[sflag:s22] =	ssyncadd.s32 s4;
	_ =	sdelay $0x1  }
0xa1: {  	s23 =	simm.s32 $0x1B8B  }
0xa2: {  	_ =	swait.ge [sflag:s23], $0x1  }
0xa3: {  	[sflag:s23] =	ssyncset.done $0x0  }
0xa4: {  	s25 =	simm.s32 $0x1B8E;
	s24 =	sld [smem:$0x3FFE];
	[sflag:s23] =	ssyncadd.s32 $0xFFFFFFFF  }
0xa5: {  	s26 =	simm.s32 $execute0_lowered;
	[smem:$0x3FD2] =	sst s25  }
0xa6: {  	s5 =	sshll.u32 s26, $0x1;
	_ =	strace $0x80000046;
	[dreg:$0x1] =	wrdreg $0xFFFFFFFF  }
0xa7: {  	s28 =	simm.s32 $_size_execute0_lowered;
	s3 =	sadd.s32 s3, s5;
	[dreg:$0x0] =	wrdreg $0x0  }
0xa8: {  	s5 =	sshll.u32 s28, $0x1;
	[dreg:$0x2] =	wrdreg s3  }
0xa9: {  	[dreg:$0x3] =	wrdreg s5  }
0xaa: {  	[dreg:$0x4] =	wrdreg $0xC0  }
0xab: {  	_ =	task [dreg:s7], $0x5FFFF  }
0xac: {  	[dreg:$0x1] =	wrdreg $0xFFFFFFFF  }
0xad: {  	[dreg:$0x0] =	wrdreg $0x60  }
0xae: {  	[dreg:$0x2] =	wrdreg s24  }
0xaf: {  	[dreg:$0x3] =	wrdreg s2  }
0xb0: {  	[dreg:$0x4] =	wrdreg $0x9  }
0xb1: {  	_ =	task.clear_ibuf [dreg:s7], $0x5FFFF;
	_ =	strace $0x90000046  }
0xb2: {  	s29 =	simm.s32 $0x9;
	_ =	strace $0x80000048  }
0xb3: {  	_ =	swait.ge [sflag:s29], $0x1  }
0xb4: {  	[sflag:s29] =	ssyncadd.s32 $0xFFFFFFFF  }
0xb5: {  	_ =	strace $0x90000048  }
0xb6: {  	_ =	sfence  }
0xb7: {  	s30 =	sld [smem:$0x0];
	_ =	sdelay $0x2  }
0xb8: {  	s31 =	sshll.u32 s1, $0xD;
	s1 =	sshrl.u32 s1, $0x2  }
0xb9: {  	s3 =	sand.u32 $0x4000, s31;
	s1 =	sadd.s32 s1, s30  }
0xba: {  	s0 =	sor.u32 s3, s0;
	s1 =	sshll.u32 s1, $0x11  }
0xbb: {  	s0 =	sor.u32 s1, s0  }
0xbc: {  	s0 =	sadd.s32 $0x8F2B, s0  }
0xbd: {  	[sflag:s0] =	ssyncadd.remote.s32 $0x1  }
0xbe: {  	_ =	sfence.sel $0xFFFF  }
0xbf: {  	[dreg:$0x0] =	wrdreg $0xFFFFFFFF;
	(pc) =	sbr.abs _section_cstart, $3  }
0xc0: {  	[dreg:$0x1] =	wrdreg $0xFFFFFFFF  }
0xc1: {  	_ =	task.clear_ibuf [dreg:s7], $0x2FFFF;
	_ =	strace $0x9FFFFFFF  }
0xc2: {  	(tm) =	ssettm $0x7FFFFFFF  }
0xc3: {  	_ =	shalt  }
tec
execute0_lowered:
.L_overlay_start_1:
0x0: {  	(tag) =	ssettag $0x1  }
0x1: {  	s0 =	srdreg.scid  }
0x2: {  	s4 =	rddreg [dreg:$0x0];
	s3 =	sand.u32 $0x1, s0  }
0x3: {  	s5 =	rddreg [dreg:$0x1];
	s0 =	stileid.u32;
	s1 =	sshll.u32 s3, $0x4  }
0x4: {  	s2 =	simm.s32 $0x0;
	s9 =	simm.s32 $0x400;
	s6 =	sor.u32 s0, s1  }
0x5: {  	s10 =	simm.s32 $0x0;
	[smem:$0x7FF] =	sst s2;
	s7 =	sshrl.u32 s6, $0x3  }
0x6: {  	s8 =	sshll.u32 s0, $0x7;
	s3 =	ssub.s32 $0x2, s3;
	s7 =	smul.u32 $0x13C00, s7  }
0x7: {  	s1 =	rddreg [dreg:$0x2];
	s8 =	sand.u32 $0x380, s8;
	s6 =	smul.u32 $0x4E2, s6  }
0x8: {  	_ =	strace $0x80000047;
	s31 =	sshrl.u32 s3, $0x1;
	s7 =	sor.u32 s8, s7  }
0x9: {  	s4 =	sadd.s32 s6, s4;
	s6 =	ssub.s32 s3, s31;
	s7 =	sshrl.u32 s7, $0x3  }
0xa: {  	s3 =	sadd.s32 $0x2200, s4;
	s8 =	simm.s32 $0x80;
	s4 =	sadd.s32 s5, s7  }
0xb: {  	v0 =	vimm.f32 $0.0e+00;
	s5 =	smax.u32 s6, $0x1;
	s6 =	simm.s32 $0x1;
	s7 =	simm.s32 $0x2780  }
.LBB2_1:
0xc: {  	[tilespmem:s2], [sflag:$0x1] =	stream.linear.gather [hbm4b:s3+s2], $0x2710, $0x38;
	[tilespmem:$0x4F00] =	vst v63  }
0xd: {  	_ =	swait.ge [sflag:s6], $0x2710  }
0xe: {  	[sflag:s6] =	ssyncset.done $0x0  }
0xf: {  	s11 =	simm.s32 $0x0;
	[sflag:s6] =	ssyncadd.s32 $0xFFFFD8F0  }
.LBB2_2:
0x10: {  	p0 =	sne.s32 s11, $0x9C00  }
.Ltmp0:
0x11: {  	_ = 	snop;
	(pc) =	sbr.rel @p0 .LBB2_2-.Ltmp0, $3  }
0x12: {  	_ =	sdelay $0x1  }
0x13: {  	s12 =	sshra.s32 s11, $0x2  }
0x14: {  	s11 =	sadd.s32 $0x40, s11;
	[tilespmem:s12+$0x2780] =	vst v0  }
0x15: {  	s12 =	simm.s32 $0x0;
	s11 =	simm.s32 $0x40  }
.LBB2_4:
0x16: {  	p0 =	sne.s32 s11, $0x9C00;
	v1 =	vld [tilespmem:s12+$0x0];
	_ =	sdelay $0x4  }
0x17: {  	(xrf1) =	vunique.msk.u32 $0xffff, v1;
	_ =	sdelay $0xd  }
0x18: {  	_, v2, vm0 =	vpop (xrf1);
	_ =	sdelay $0x1  }
.Ltmp1:
0x19: {  	(pc) =	sbr.rel @p0 .LBB2_4-.Ltmp1, $3  }
0x1a: {  	_ = 	snop  }
0x1b: {  	v2 =	vcvt.s32.f32 v2;
	_ =	sdelay $0x1  }
0x1c: {  	s12 =	sshra.s32 s11, $0x2;
	s11 =	sadd.s32 $0x40, s11;
	[tilespmem:v1+s7+$0x0] =	vst.idx.add.f32.msk vm0, v2  }
0x1d: {  	v1 =	vld [tilespmem:s12+$0x0];
	_ =	sdelay $0x4  }
0x1e: {  	(xrf1) =	vunique.msk.u32 $0xffff, v1;
	_ =	sdelay $0xd  }
0x1f: {  	_, v2, vm0 =	vpop (xrf1);
	_ =	sdelay $0x3  }
0x20: {  	s10 =	sadd.s32 $0x1, s10;
	v2 =	vcvt.s32.f32 v2  }
0x21: {  	p0 =	sne.s32 s10, s5  }
.Ltmp2:
0x22: {  	[tilespmem:v1+s7+$0x0] =	vst.idx.add.f32.msk vm0, v2;
	(pc) =	sbr.rel @p0 .LBB2_1-.Ltmp2, $4  }
0x23: {  	[hbm4b:s4+s8] =	stream.strided.scatter [tilespmem:s7], [sflag:$0x1], $0x2780, s9, s8, $0x38;
	[tilespmem:$0x4F00] =	vst v63  }
0x24: {  	_ =	swait.ge [sflag:s6], $0x2780  }
0x25: {  	[sflag:s6] =	ssyncset.done $0x0  }
0x26: {  	[sflag:s6] =	ssyncadd.s32 $0xFFFFD880  }
0x27: {  	_ =	sfence.sel $0x180000  }
0x28: {  	[bflag:$0x0] =	sbarrier.arrive $0xFFFF  }
0x29: {  	p0 =	sne.s32 s0, $0x0;
	_ =	strace $0x90000047  }
0x2a: {  	s0 =	sadd.s32 @!p0 $0x100000, s1;
	[bflag:$0x2] =	sbarrier.arrive $0xFFFF  }
0x2b: {  	[sflag:s0] =	ssyncadd.tile.s32 @!p0 $0x1;
	_ =	shalt  }
.Lfunc_end2:
_tile_overlayer_lowered:
.L_overlay_start_2:
0x2c: {  	(tag) =	ssettag $0x2  }
0x2d: {  	s0 =	rddreg [dreg:$0x0];
	s2 =	stileid.u32  }
0x2e: {  	s1 =	rddreg [dreg:$0x1];
	p0 =	sne.s32 s2, $0x0  }
0x2f: {  	s3 =	rddreg [dreg:$0x2];
	[bflag:$0x3] =	sbarrier.arrive $0xFFFF;
	s2 =	simm.s32 @!p0 $0x1C01  }
0x30: {  	[timem:s3], [sflag:s2] =	dma.local @!p0 [hbm:s0], s1  }
0x31: {  	s0 =	simm.s32 @!p0 $0x1  }
0x32: {  	_ =	swait.ge @!p0 [sflag:s0], s1  }
0x33: {  	s1 =	ssub.s32 @!p0 $0x0, s1;
	[sflag:s0] =	ssyncset.done @!p0 $0x0  }
0x34: {  	[sflag:s0] =	ssyncadd.s32 @!p0 s1  }
0x35: {  	[bflag:$0x3] =	sbarrier.arrive $0xFFFF  }
0x36: {  	_ =	shalt  }

</sc_bundles>
